<compile_context>
chip_gen: v7x
topology: tpu7x:2x2x1
jax: 0.10.2.dev20260603
libtpu: 0.0.44.dev20260713+nightly
codegen_flags: <defaults>
</compile_context>

<pallas_src>
import functools

import jax
import jax.numpy as jnp
from jax import lax
from jax.experimental import pallas as pl
from jax.experimental.pallas import tpu as pltpu
from jax.experimental.pallas import tpu_sc as plsc

NUM_CORES = 2
NUM_SUBCORES = 16
NUM_WORKERS = NUM_CORES * NUM_SUBCORES
LANES = 16

ROWS = 1024
COLS = 100000
K = 200

TOTAL = ROWS * K
CHUNK = TOTAL // NUM_WORKERS
DMA_IDX = 128
N_DMA = CHUNK // DMA_IDX
VREGS_PER_DMA = DMA_IDX // LANES
STAGE_SPLIT = 32


def _to_phys(x):
  r, c = x.shape
  return x.reshape(r // 128, 128, c // 8, 8).transpose(2, 0, 3, 1).reshape(-1)


def _from_phys(flat, r, c):
  return (flat.reshape(c // 8, r // 128, 8, 128)
          .transpose(1, 3, 0, 2).reshape(r, c))


def _sc_gather(flat_tensor, flat_index):
  mesh = plsc.VectorSubcoreMesh(
      core_axis_name="c", subcore_axis_name="s",
      num_cores=NUM_CORES, num_subcores=NUM_SUBCORES)

  @functools.partial(
      pl.kernel,
      out_type=jax.ShapeDtypeStruct((NUM_WORKERS, N_DMA, DMA_IDX),
                                    jnp.float32),
      mesh=mesh,
      scratch_types=[
          pltpu.VMEM((CHUNK,), jnp.int32),
          pltpu.VMEM((N_DMA, DMA_IDX), jnp.int32),
          pltpu.VMEM((N_DMA, DMA_IDX), jnp.float32),
          pltpu.SemaphoreType.DMA,
          pltpu.SemaphoreType.DMA,
      ],
  )
  def k(tensor_hbm, idx_hbm, out_hbm, idx_v, gidx_v, data_v, sem, sem2):
    wid = lax.axis_index("s") * NUM_CORES + lax.axis_index("c")
    base = wid * CHUNK
    split = STAGE_SPLIT * DMA_IDX
    stage_a = pltpu.make_async_copy(
        idx_hbm.at[pl.ds(base, split)], idx_v.at[pl.ds(0, split)], sem2)
    stage_b = pltpu.make_async_copy(
        idx_hbm.at[pl.ds(base + split, CHUNK - split)],
        idx_v.at[pl.ds(split, CHUNK - split)], sem2)
    stage_a.start()
    stage_b.start()
    stage_a.wait()

    lane = lax.iota(jnp.int32, LANES)

    def compute_and_fire(c):
      s0 = c * DMA_IDX
      ixs = [idx_v[pl.ds(s0 + u * LANES, LANES)]
             for u in range(VREGS_PER_DMA)]
      ms = []
      for u in range(VREGS_PER_DMA):
        n_base = base + s0 + u * LANES
        row_part = ((lax.shift_right_logical(n_base, 10) & 7) << 10) \
            + (n_base & 127)
        ix = ixs[u]
        ms.append((lax.shift_right_logical(ix, 3) << 13)
                  + ((ix & 7) << 7) + (row_part + lane))
      for u in range(VREGS_PER_DMA):
        gidx_v[c, pl.ds(u * LANES, LANES)] = ms[u]
      pltpu.make_async_copy(
          tensor_hbm.at[gidx_v.at[c]], data_v.at[c], sem).start()

    def fill_body(c, carry):
      compute_and_fire(c)
      return carry

    lax.fori_loop(0, STAGE_SPLIT, fill_body, 0)
    stage_b.wait()
    lax.fori_loop(STAGE_SPLIT, N_DMA, fill_body, 0)

    pltpu.make_async_copy(out_hbm.at[wid], data_v, sem).wait()

    pltpu.sync_copy(data_v, out_hbm.at[wid])

  return k(flat_tensor, flat_index)


def kernel(tensor, index):
  out = _sc_gather(_to_phys(tensor), _to_phys(index))
  return _from_phys(out.reshape(TOTAL), ROWS, K)

# --- scband reference (transcript-rebuilt; emitter-appended) ---
"""Pipeline reference for scband-gather-module-54296976556697 (READ-ONLY COPY).

The authoritative reference and input builder live on the scoring server;
editing this copy changes nothing except your own understanding.
"""

import jax, jax.numpy as jnp
import numpy as np


def setup_inputs(seed: int = 0) -> dict:
    key = jax.random.key(seed)
    k1, k2 = jax.random.split(key)
    tensor = jax.random.normal(k1, (1024, 100000), dtype=jnp.float32)
    index = jax.random.randint(k2, (1024, 200), 0, 100000, dtype=jnp.int32)
    return {"tensor": tensor, "index": index}


def reference(tensor, index):
    # torch.gather(tensor, 1, index) == take_along_axis on axis 1
    return jnp.take_along_axis(tensor, index, axis=1)

if __name__ == "__main__":
    import jax
    _d = setup_inputs()
    print(jax.jit(kernel)(*tuple(_d.values())))

</pallas_src>

<mosaic_0001>
#map = affine_map<(d0, d1) -> (0)>
#map1 = affine_map<(d0, d1) -> (0, 0, 0)>
module attributes {stable_mosaic.version = 14 : i64} {
  func.func @k(%arg0: i32, %arg1: i32, %arg2: memref<102400000xf32, #tpu.memory_space<hbm>>, %arg3: memref<204800xi32, #tpu.memory_space<hbm>>, %arg4: memref<32x50x128xf32, #tpu.memory_space<hbm>>, %arg5: memref<6400xi32, #tpu.memory_space<vmem>>, %arg6: memref<50x128xi32, #tpu.memory_space<vmem>>, %arg7: memref<50x128xf32, #tpu.memory_space<vmem>>, %arg8: memref<!tpu.dma_semaphore, #tpu.memory_space<semaphore_mem>>, %arg9: memref<!tpu.dma_semaphore, #tpu.memory_space<semaphore_mem>>) attributes {dimension_semantics = [#tpu.dimension_semantics<core_parallel>, #tpu.dimension_semantics<subcore_parallel>], iteration_bounds = array<i64: 2, 16>, scalar_prefetch = 0 : i64, scratch_operands = 5 : i64, tpu.core_type = #tpu.core_type<sc_vector_subcore>, window_params = [{transform_indices = #map}, {transform_indices = #map}, {transform_indices = #map1}]} {
    %mul3A = arith.constant 2 : i32
    %mul3A_0 = arith.muli %arg1, %mul3A : i32
    %add3A = arith.addi %mul3A_0, %arg0 : i32
    %mul3A_1 = arith.constant 6400 : i32
    %mul3A_2 = arith.muli %add3A, %mul3A_1 : i32
    %add3A_3 = arith.constant 4096 : i32
    %add3A_4 = arith.addi %mul3A_2, %add3A_3 : i32
    %dma_start3A = arith.constant 0 : i32
    %dma_start3A_5 = tpu.memref_slice %arg5[%dma_start3A] : memref<6400xi32, #tpu.memory_space<vmem>> -> memref<4096xi32, #tpu.memory_space<vmem>>
    %dma_start3A_6 = tpu.memref_slice %arg3[%mul3A_2] : memref<204800xi32, #tpu.memory_space<hbm>> -> memref<4096xi32, #tpu.memory_space<hbm>>
    %dma_start3A_7 = arith.constant 0 : i32
    %dma_start3A_8 = tpu.memref_slice %arg5[%dma_start3A_7] : memref<6400xi32, #tpu.memory_space<vmem>> -> memref<4096xi32, #tpu.memory_space<vmem>>
    %dma_start3A_9 = tpu.memref_slice %arg3[%mul3A_2] : memref<204800xi32, #tpu.memory_space<hbm>> -> memref<4096xi32, #tpu.memory_space<hbm>>
    tpu.enqueue_dma source(%dma_start3A_9 : memref<4096xi32, #tpu.memory_space<hbm>>) target(%dma_start3A_8 : memref<4096xi32, #tpu.memory_space<vmem>>) target_semaphore(%arg9 : memref<!tpu.dma_semaphore, #tpu.memory_space<semaphore_mem>>)
    %dma_start3A_10 = arith.constant 4096 : i32
    %dma_start3A_11 = tpu.memref_slice %arg5[%dma_start3A_10] : memref<6400xi32, #tpu.memory_space<vmem>> -> memref<2304xi32, #tpu.memory_space<vmem>>
    %dma_start3A_12 = tpu.memref_slice %arg3[%add3A_4] : memref<204800xi32, #tpu.memory_space<hbm>> -> memref<2304xi32, #tpu.memory_space<hbm>>
    %dma_start3A_13 = arith.constant 4096 : i32
    %dma_start3A_14 = tpu.memref_slice %arg5[%dma_start3A_13] : memref<6400xi32, #tpu.memory_space<vmem>> -> memref<2304xi32, #tpu.memory_space<vmem>>
    %dma_start3A_15 = tpu.memref_slice %arg3[%add3A_4] : memref<204800xi32, #tpu.memory_space<hbm>> -> memref<2304xi32, #tpu.memory_space<hbm>>
    tpu.enqueue_dma source(%dma_start3A_15 : memref<2304xi32, #tpu.memory_space<hbm>>) target(%dma_start3A_14 : memref<2304xi32, #tpu.memory_space<vmem>>) target_semaphore(%arg9 : memref<!tpu.dma_semaphore, #tpu.memory_space<semaphore_mem>>)
    %dma_wait3A = arith.constant 0 : i32
    %dma_wait3A_16 = tpu.memref_slice %arg5[%dma_wait3A] : memref<6400xi32, #tpu.memory_space<vmem>> -> memref<4096xi32, #tpu.memory_space<vmem>>
    %dma_wait3A_17 = tpu.memref_slice %arg3[%mul3A_2] : memref<204800xi32, #tpu.memory_space<hbm>> -> memref<4096xi32, #tpu.memory_space<hbm>>
    %dma_wait3A_18 = arith.constant 0 : i32
    %dma_wait3A_19 = tpu.memref_slice %arg5[%dma_wait3A_18] : memref<6400xi32, #tpu.memory_space<vmem>> -> memref<4096xi32, #tpu.memory_space<vmem>>
    %dma_wait3A_20 = tpu.memref_slice %arg3[%mul3A_2] : memref<204800xi32, #tpu.memory_space<hbm>> -> memref<4096xi32, #tpu.memory_space<hbm>>
    tpu.wait_dma2 semaphore(%arg9 : memref<!tpu.dma_semaphore, #tpu.memory_space<semaphore_mem>>) src(%dma_wait3A_20 : memref<4096xi32, #tpu.memory_space<hbm>>) dst(%dma_wait3A_19 : memref<4096xi32, #tpu.memory_space<vmem>>)
    %iota3A = tpu.iota {dimensions = array<i32: 0>} : vector<16xi32>
    %scan3A = arith.constant 0 : i32
    %scan3A_21 = arith.constant 0 : i32
    %scan3A_22 = arith.constant 32 : i32
    %scan3A_23 = arith.addi %scan3A_21, %scan3A_22 : i32
    %scan3A_24 = arith.constant 1 : i32
    scf.for %scan3A_46 = %scan3A_21 to %scan3A_23 step %scan3A_24  : i32 {
      %mul3A_47 = arith.constant 128 : i32
      %mul3A_48 = arith.muli %scan3A_46, %mul3A_47 : i32
      %add3A_49 = arith.constant 0 : i32
      %add3A_50 = arith.addi %mul3A_48, %add3A_49 : i32
      %get3A = arith.index_cast %add3A_50 : i32 to index
      %get3A_51 = tpu.vector_load %arg5[%get3A] {strides = array<i32>} : memref<6400xi32, #tpu.memory_space<vmem>>, vector<16xi32>,
      %get3A_52 = vector.shape_cast %get3A_51 : vector<16xi32> to vector<16xi32>
      %add3A_53 = arith.constant 16 : i32
      %add3A_54 = arith.addi %mul3A_48, %add3A_53 : i32
      %get3A_55 = arith.index_cast %add3A_54 : i32 to index
      %get3A_56 = tpu.vector_load %arg5[%get3A_55] {strides = array<i32>} : memref<6400xi32, #tpu.memory_space<vmem>>, vector<16xi32>,
      %get3A_57 = vector.shape_cast %get3A_56 : vector<16xi32> to vector<16xi32>
      %add3A_58 = arith.constant 32 : i32
      %add3A_59 = arith.addi %mul3A_48, %add3A_58 : i32
      %get3A_60 = arith.index_cast %add3A_59 : i32 to index
      %get3A_61 = tpu.vector_load %arg5[%get3A_60] {strides = array<i32>} : memref<6400xi32, #tpu.memory_space<vmem>>, vector<16xi32>,
      %get3A_62 = vector.shape_cast %get3A_61 : vector<16xi32> to vector<16xi32>
      %add3A_63 = arith.constant 48 : i32
      %add3A_64 = arith.addi %mul3A_48, %add3A_63 : i32
      %get3A_65 = arith.index_cast %add3A_64 : i32 to index
      %get3A_66 = tpu.vector_load %arg5[%get3A_65] {strides = array<i32>} : memref<6400xi32, #tpu.memory_space<vmem>>, vector<16xi32>,
      %get3A_67 = vector.shape_cast %get3A_66 : vector<16xi32> to vector<16xi32>
      %add3A_68 = arith.constant 64 : i32
      %add3A_69 = arith.addi %mul3A_48, %add3A_68 : i32
      %get3A_70 = arith.index_cast %add3A_69 : i32 to index
      %get3A_71 = tpu.vector_load %arg5[%get3A_70] {strides = array<i32>} : memref<6400xi32, #tpu.memory_space<vmem>>, vector<16xi32>,
      %get3A_72 = vector.shape_cast %get3A_71 : vector<16xi32> to vector<16xi32>
      %add3A_73 = arith.constant 80 : i32
      %add3A_74 = arith.addi %mul3A_48, %add3A_73 : i32
      %get3A_75 = arith.index_cast %add3A_74 : i32 to index
      %get3A_76 = tpu.vector_load %arg5[%get3A_75] {strides = array<i32>} : memref<6400xi32, #tpu.memory_space<vmem>>, vector<16xi32>,
      %get3A_77 = vector.shape_cast %get3A_76 : vector<16xi32> to vector<16xi32>
      %add3A_78 = arith.constant 96 : i32
      %add3A_79 = arith.addi %mul3A_48, %add3A_78 : i32
      %get3A_80 = arith.index_cast %add3A_79 : i32 to index
      %get3A_81 = tpu.vector_load %arg5[%get3A_80] {strides = array<i32>} : memref<6400xi32, #tpu.memory_space<vmem>>, vector<16xi32>,
      %get3A_82 = vector.shape_cast %get3A_81 : vector<16xi32> to vector<16xi32>
      %add3A_83 = arith.constant 112 : i32
      %add3A_84 = arith.addi %mul3A_48, %add3A_83 : i32
      %get3A_85 = arith.index_cast %add3A_84 : i32 to index
      %get3A_86 = tpu.vector_load %arg5[%get3A_85] {strides = array<i32>} : memref<6400xi32, #tpu.memory_space<vmem>>, vector<16xi32>,
      %get3A_87 = vector.shape_cast %get3A_86 : vector<16xi32> to vector<16xi32>
      %add3A_88 = arith.addi %mul3A_2, %mul3A_48 : i32
      %add3A_89 = arith.constant 0 : i32
      %add3A_90 = arith.addi %add3A_88, %add3A_89 : i32
      %shift_right_logical3A = arith.constant 10 : i32
      %shift_right_logical3A_91 = arith.shrui %add3A_90, %shift_right_logical3A : i32
      %and3A = arith.constant 7 : i32
      %and3A_92 = arith.andi %shift_right_logical3A_91, %and3A : i32
      %shift_left3A = arith.constant 10 : i32
      %shift_left3A_93 = arith.shli %and3A_92, %shift_left3A : i32
      %and3A_94 = arith.constant 127 : i32
      %and3A_95 = arith.andi %add3A_90, %and3A_94 : i32
      %add3A_96 = arith.addi %shift_left3A_93, %and3A_95 : i32
      %shift_right_logical3A_97 = arith.constant 3 : i32
      %shift_right_logical3A_98 = vector.broadcast %shift_right_logical3A_97 : i32 to vector<16xi32>
      %shift_right_logical3A_99 = arith.shrui %get3A_52, %shift_right_logical3A_98 : vector<16xi32>
      %shift_left3A_100 = arith.constant 13 : i32
      %shift_left3A_101 = vector.broadcast %shift_left3A_100 : i32 to vector<16xi32>
      %shift_left3A_102 = arith.shli %shift_right_logical3A_99, %shift_left3A_101 : vector<16xi32>
      %and3A_103 = arith.constant 7 : i32
      %and3A_104 = vector.broadcast %and3A_103 : i32 to vector<16xi32>
      %and3A_105 = arith.andi %get3A_52, %and3A_104 : vector<16xi32>
      %shift_left3A_106 = arith.constant 7 : i32
      %shift_left3A_107 = vector.broadcast %shift_left3A_106 : i32 to vector<16xi32>
      %shift_left3A_108 = arith.shli %and3A_105, %shift_left3A_107 : vector<16xi32>
      %add3A_109 = arith.addi %shift_left3A_102, %shift_left3A_108 : vector<16xi32>
      %add3A_110 = vector.broadcast %add3A_96 : i32 to vector<16xi32>
      %add3A_111 = arith.addi %add3A_110, %iota3A : vector<16xi32>
      %add3A_112 = arith.addi %add3A_109, %add3A_111 : vector<16xi32>
      %add3A_113 = arith.addi %mul3A_2, %mul3A_48 : i32
      %add3A_114 = arith.constant 16 : i32
      %add3A_115 = arith.addi %add3A_113, %add3A_114 : i32
      %shift_right_logical3A_116 = arith.constant 10 : i32
      %shift_right_logical3A_117 = arith.shrui %add3A_115, %shift_right_logical3A_116 : i32
      %and3A_118 = arith.constant 7 : i32
      %and3A_119 = arith.andi %shift_right_logical3A_117, %and3A_118 : i32
      %shift_left3A_120 = arith.constant 10 : i32
      %shift_left3A_121 = arith.shli %and3A_119, %shift_left3A_120 : i32
      %and3A_122 = arith.constant 127 : i32
      %and3A_123 = arith.andi %add3A_115, %and3A_122 : i32
      %add3A_124 = arith.addi %shift_left3A_121, %and3A_123 : i32
      %shift_right_logical3A_125 = arith.constant 3 : i32
      %shift_right_logical3A_126 = vector.broadcast %shift_right_logical3A_125 : i32 to vector<16xi32>
      %shift_right_logical3A_127 = arith.shrui %get3A_57, %shift_right_logical3A_126 : vector<16xi32>
      %shift_left3A_128 = arith.constant 13 : i32
      %shift_left3A_129 = vector.broadcast %shift_left3A_128 : i32 to vector<16xi32>
      %shift_left3A_130 = arith.shli %shift_right_logical3A_127, %shift_left3A_129 : vector<16xi32>
      %and3A_131 = arith.constant 7 : i32
      %and3A_132 = vector.broadcast %and3A_131 : i32 to vector<16xi32>
      %and3A_133 = arith.andi %get3A_57, %and3A_132 : vector<16xi32>
      %shift_left3A_134 = arith.constant 7 : i32
      %shift_left3A_135 = vector.broadcast %shift_left3A_134 : i32 to vector<16xi32>
      %shift_left3A_136 = arith.shli %and3A_133, %shift_left3A_135 : vector<16xi32>
      %add3A_137 = arith.addi %shift_left3A_130, %shift_left3A_136 : vector<16xi32>
      %add3A_138 = vector.broadcast %add3A_124 : i32 to vector<16xi32>
      %add3A_139 = arith.addi %add3A_138, %iota3A : vector<16xi32>
      %add3A_140 = arith.addi %add3A_137, %add3A_139 : vector<16xi32>
      %add3A_141 = arith.addi %mul3A_2, %mul3A_48 : i32
      %add3A_142 = arith.constant 32 : i32
      %add3A_143 = arith.addi %add3A_141, %add3A_142 : i32
      %shift_right_logical3A_144 = arith.constant 10 : i32
      %shift_right_logical3A_145 = arith.shrui %add3A_143, %shift_right_logical3A_144 : i32
      %and3A_146 = arith.constant 7 : i32
      %and3A_147 = arith.andi %shift_right_logical3A_145, %and3A_146 : i32
      %shift_left3A_148 = arith.constant 10 : i32
      %shift_left3A_149 = arith.shli %and3A_147, %shift_left3A_148 : i32
      %and3A_150 = arith.constant 127 : i32
      %and3A_151 = arith.andi %add3A_143, %and3A_150 : i32
      %add3A_152 = arith.addi %shift_left3A_149, %and3A_151 : i32
      %shift_right_logical3A_153 = arith.constant 3 : i32
      %shift_right_logical3A_154 = vector.broadcast %shift_right_logical3A_153 : i32 to vector<16xi32>
      %shift_right_logical3A_155 = arith.shrui %get3A_62, %shift_right_logical3A_154 : vector<16xi32>
      %shift_left3A_156 = arith.constant 13 : i32
      %shift_left3A_157 = vector.broadcast %shift_left3A_156 : i32 to vector<16xi32>
      %shift_left3A_158 = arith.shli %shift_right_logical3A_155, %shift_left3A_157 : vector<16xi32>
      %and3A_159 = arith.constant 7 : i32
      %and3A_160 = vector.broadcast %and3A_159 : i32 to vector<16xi32>
      %and3A_161 = arith.andi %get3A_62, %and3A_160 : vector<16xi32>
      %shift_left3A_162 = arith.constant 7 : i32
      %shift_left3A_163 = vector.broadcast %shift_left3A_162 : i32 to vector<16xi32>
      %shift_left3A_164 = arith.shli %and3A_161, %shift_left3A_163 : vector<16xi32>
      %add3A_165 = arith.addi %shift_left3A_158, %shift_left3A_164 : vector<16xi32>
      %add3A_166 = vector.broadcast %add3A_152 : i32 to vector<16xi32>
      %add3A_167 = arith.addi %add3A_166, %iota3A : vector<16xi32>
      %add3A_168 = arith.addi %add3A_165, %add3A_167 : vector<16xi32>
      %add3A_169 = arith.addi %mul3A_2, %mul3A_48 : i32
      %add3A_170 = arith.constant 48 : i32
      %add3A_171 = arith.addi %add3A_169, %add3A_170 : i32
      %shift_right_logical3A_172 = arith.constant 10 : i32
      %shift_right_logical3A_173 = arith.shrui %add3A_171, %shift_right_logical3A_172 : i32
      %and3A_174 = arith.constant 7 : i32
      %and3A_175 = arith.andi %shift_right_logical3A_173, %and3A_174 : i32
      %shift_left3A_176 = arith.constant 10 : i32
      %shift_left3A_177 = arith.shli %and3A_175, %shift_left3A_176 : i32
      %and3A_178 = arith.constant 127 : i32
      %and3A_179 = arith.andi %add3A_171, %and3A_178 : i32
      %add3A_180 = arith.addi %shift_left3A_177, %and3A_179 : i32
      %shift_right_logical3A_181 = arith.constant 3 : i32
      %shift_right_logical3A_182 = vector.broadcast %shift_right_logical3A_181 : i32 to vector<16xi32>
      %shift_right_logical3A_183 = arith.shrui %get3A_67, %shift_right_logical3A_182 : vector<16xi32>
      %shift_left3A_184 = arith.constant 13 : i32
      %shift_left3A_185 = vector.broadcast %shift_left3A_184 : i32 to vector<16xi32>
      %shift_left3A_186 = arith.shli %shift_right_logical3A_183, %shift_left3A_185 : vector<16xi32>
      %and3A_187 = arith.constant 7 : i32
      %and3A_188 = vector.broadcast %and3A_187 : i32 to vector<16xi32>
      %and3A_189 = arith.andi %get3A_67, %and3A_188 : vector<16xi32>
      %shift_left3A_190 = arith.constant 7 : i32
      %shift_left3A_191 = vector.broadcast %shift_left3A_190 : i32 to vector<16xi32>
      %shift_left3A_192 = arith.shli %and3A_189, %shift_left3A_191 : vector<16xi32>
      %add3A_193 = arith.addi %shift_left3A_186, %shift_left3A_192 : vector<16xi32>
      %add3A_194 = vector.broadcast %add3A_180 : i32 to vector<16xi32>
      %add3A_195 = arith.addi %add3A_194, %iota3A : vector<16xi32>
      %add3A_196 = arith.addi %add3A_193, %add3A_195 : vector<16xi32>
      %add3A_197 = arith.addi %mul3A_2, %mul3A_48 : i32
      %add3A_198 = arith.constant 64 : i32
      %add3A_199 = arith.addi %add3A_197, %add3A_198 : i32
      %shift_right_logical3A_200 = arith.constant 10 : i32
      %shift_right_logical3A_201 = arith.shrui %add3A_199, %shift_right_logical3A_200 : i32
      %and3A_202 = arith.constant 7 : i32
      %and3A_203 = arith.andi %shift_right_logical3A_201, %and3A_202 : i32
      %shift_left3A_204 = arith.constant 10 : i32
      %shift_left3A_205 = arith.shli %and3A_203, %shift_left3A_204 : i32
      %and3A_206 = arith.constant 127 : i32
      %and3A_207 = arith.andi %add3A_199, %and3A_206 : i32
      %add3A_208 = arith.addi %shift_left3A_205, %and3A_207 : i32
      %shift_right_logical3A_209 = arith.constant 3 : i32
      %shift_right_logical3A_210 = vector.broadcast %shift_right_logical3A_209 : i32 to vector<16xi32>
      %shift_right_logical3A_211 = arith.shrui %get3A_72, %shift_right_logical3A_210 : vector<16xi32>
      %shift_left3A_212 = arith.constant 13 : i32
      %shift_left3A_213 = vector.broadcast %shift_left3A_212 : i32 to vector<16xi32>
      %shift_left3A_214 = arith.shli %shift_right_logical3A_211, %shift_left3A_213 : vector<16xi32>
      %and3A_215 = arith.constant 7 : i32
      %and3A_216 = vector.broadcast %and3A_215 : i32 to vector<16xi32>
      %and3A_217 = arith.andi %get3A_72, %and3A_216 : vector<16xi32>
      %shift_left3A_218 = arith.constant 7 : i32
      %shift_left3A_219 = vector.broadcast %shift_left3A_218 : i32 to vector<16xi32>
      %shift_left3A_220 = arith.shli %and3A_217, %shift_left3A_219 : vector<16xi32>
      %add3A_221 = arith.addi %shift_left3A_214, %shift_left3A_220 : vector<16xi32>
      %add3A_222 = vector.broadcast %add3A_208 : i32 to vector<16xi32>
      %add3A_223 = arith.addi %add3A_222, %iota3A : vector<16xi32>
      %add3A_224 = arith.addi %add3A_221, %add3A_223 : vector<16xi32>
      %add3A_225 = arith.addi %mul3A_2, %mul3A_48 : i32
      %add3A_226 = arith.constant 80 : i32
      %add3A_227 = arith.addi %add3A_225, %add3A_226 : i32
      %shift_right_logical3A_228 = arith.constant 10 : i32
      %shift_right_logical3A_229 = arith.shrui %add3A_227, %shift_right_logical3A_228 : i32
      %and3A_230 = arith.constant 7 : i32
      %and3A_231 = arith.andi %shift_right_logical3A_229, %and3A_230 : i32
      %shift_left3A_232 = arith.constant 10 : i32
      %shift_left3A_233 = arith.shli %and3A_231, %shift_left3A_232 : i32
      %and3A_234 = arith.constant 127 : i32
      %and3A_235 = arith.andi %add3A_227, %and3A_234 : i32
      %add3A_236 = arith.addi %shift_left3A_233, %and3A_235 : i32
      %shift_right_logical3A_237 = arith.constant 3 : i32
      %shift_right_logical3A_238 = vector.broadcast %shift_right_logical3A_237 : i32 to vector<16xi32>
      %shift_right_logical3A_239 = arith.shrui %get3A_77, %shift_right_logical3A_238 : vector<16xi32>
      %shift_left3A_240 = arith.constant 13 : i32
      %shift_left3A_241 = vector.broadcast %shift_left3A_240 : i32 to vector<16xi32>
      %shift_left3A_242 = arith.shli %shift_right_logical3A_239, %shift_left3A_241 : vector<16xi32>
      %and3A_243 = arith.constant 7 : i32
      %and3A_244 = vector.broadcast %and3A_243 : i32 to vector<16xi32>
      %and3A_245 = arith.andi %get3A_77, %and3A_244 : vector<16xi32>
      %shift_left3A_246 = arith.constant 7 : i32
      %shift_left3A_247 = vector.broadcast %shift_left3A_246 : i32 to vector<16xi32>
      %shift_left3A_248 = arith.shli %and3A_245, %shift_left3A_247 : vector<16xi32>
      %add3A_249 = arith.addi %shift_left3A_242, %shift_left3A_248 : vector<16xi32>
      %add3A_250 = vector.broadcast %add3A_236 : i32 to vector<16xi32>
      %add3A_251 = arith.addi %add3A_250, %iota3A : vector<16xi32>
      %add3A_252 = arith.addi %add3A_249, %add3A_251 : vector<16xi32>
      %add3A_253 = arith.addi %mul3A_2, %mul3A_48 : i32
      %add3A_254 = arith.constant 96 : i32
      %add3A_255 = arith.addi %add3A_253, %add3A_254 : i32
      %shift_right_logical3A_256 = arith.constant 10 : i32
      %shift_right_logical3A_257 = arith.shrui %add3A_255, %shift_right_logical3A_256 : i32
      %and3A_258 = arith.constant 7 : i32
      %and3A_259 = arith.andi %shift_right_logical3A_257, %and3A_258 : i32
      %shift_left3A_260 = arith.constant 10 : i32
      %shift_left3A_261 = arith.shli %and3A_259, %shift_left3A_260 : i32
      %and3A_262 = arith.constant 127 : i32
      %and3A_263 = arith.andi %add3A_255, %and3A_262 : i32
      %add3A_264 = arith.addi %shift_left3A_261, %and3A_263 : i32
      %shift_right_logical3A_265 = arith.constant 3 : i32
      %shift_right_logical3A_266 = vector.broadcast %shift_right_logical3A_265 : i32 to vector<16xi32>
      %shift_right_logical3A_267 = arith.shrui %get3A_82, %shift_right_logical3A_266 : vector<16xi32>
      %shift_left3A_268 = arith.constant 13 : i32
      %shift_left3A_269 = vector.broadcast %shift_left3A_268 : i32 to vector<16xi32>
      %shift_left3A_270 = arith.shli %shift_right_logical3A_267, %shift_left3A_269 : vector<16xi32>
      %and3A_271 = arith.constant 7 : i32
      %and3A_272 = vector.broadcast %and3A_271 : i32 to vector<16xi32>
      %and3A_273 = arith.andi %get3A_82, %and3A_272 : vector<16xi32>
      %shift_left3A_274 = arith.constant 7 : i32
      %shift_left3A_275 = vector.broadcast %shift_left3A_274 : i32 to vector<16xi32>
      %shift_left3A_276 = arith.shli %and3A_273, %shift_left3A_275 : vector<16xi32>
      %add3A_277 = arith.addi %shift_left3A_270, %shift_left3A_276 : vector<16xi32>
      %add3A_278 = vector.broadcast %add3A_264 : i32 to vector<16xi32>
      %add3A_279 = arith.addi %add3A_278, %iota3A : vector<16xi32>
      %add3A_280 = arith.addi %add3A_277, %add3A_279 : vector<16xi32>
      %add3A_281 = arith.addi %mul3A_2, %mul3A_48 : i32
      %add3A_282 = arith.constant 112 : i32
      %add3A_283 = arith.addi %add3A_281, %add3A_282 : i32
      %shift_right_logical3A_284 = arith.constant 10 : i32
      %shift_right_logical3A_285 = arith.shrui %add3A_283, %shift_right_logical3A_284 : i32
      %and3A_286 = arith.constant 7 : i32
      %and3A_287 = arith.andi %shift_right_logical3A_285, %and3A_286 : i32
      %shift_left3A_288 = arith.constant 10 : i32
      %shift_left3A_289 = arith.shli %and3A_287, %shift_left3A_288 : i32
      %and3A_290 = arith.constant 127 : i32
      %and3A_291 = arith.andi %add3A_283, %and3A_290 : i32
      %add3A_292 = arith.addi %shift_left3A_289, %and3A_291 : i32
      %shift_right_logical3A_293 = arith.constant 3 : i32
      %shift_right_logical3A_294 = vector.broadcast %shift_right_logical3A_293 : i32 to vector<16xi32>
      %shift_right_logical3A_295 = arith.shrui %get3A_87, %shift_right_logical3A_294 : vector<16xi32>
      %shift_left3A_296 = arith.constant 13 : i32
      %shift_left3A_297 = vector.broadcast %shift_left3A_296 : i32 to vector<16xi32>
      %shift_left3A_298 = arith.shli %shift_right_logical3A_295, %shift_left3A_297 : vector<16xi32>
      %and3A_299 = arith.constant 7 : i32
      %and3A_300 = vector.broadcast %and3A_299 : i32 to vector<16xi32>
      %and3A_301 = arith.andi %get3A_87, %and3A_300 : vector<16xi32>
      %shift_left3A_302 = arith.constant 7 : i32
      %shift_left3A_303 = vector.broadcast %shift_left3A_302 : i32 to vector<16xi32>
      %shift_left3A_304 = arith.shli %and3A_301, %shift_left3A_303 : vector<16xi32>
      %add3A_305 = arith.addi %shift_left3A_298, %shift_left3A_304 : vector<16xi32>
      %add3A_306 = vector.broadcast %add3A_292 : i32 to vector<16xi32>
      %add3A_307 = arith.addi %add3A_306, %iota3A : vector<16xi32>
      %add3A_308 = arith.addi %add3A_305, %add3A_307 : vector<16xi32>
      %swap3A = arith.index_cast %scan3A_46 : i32 to index
      %swap3A_309 = arith.constant 0 : index
      %swap3A_310 = tpu.vector_load %arg6[%swap3A, %swap3A_309] {strides = array<i32>} : memref<50x128xi32, #tpu.memory_space<vmem>>, vector<1x16xi32>,
      %swap3A_311 = vector.shape_cast %swap3A_310 : vector<1x16xi32> to vector<16xi32>
      %swap3A_312 = vector.shape_cast %add3A_112 : vector<16xi32> to vector<1x16xi32>
      tpu.vector_store %arg6[%swap3A, %swap3A_309], %swap3A_312 {strides = array<i32>} : memref<50x128xi32, #tpu.memory_space<vmem>>, vector<1x16xi32>,
      %swap3A_313 = arith.index_cast %scan3A_46 : i32 to index
      %swap3A_314 = arith.constant 16 : index
      %swap3A_315 = tpu.vector_load %arg6[%swap3A_313, %swap3A_314] {strides = array<i32>} : memref<50x128xi32, #tpu.memory_space<vmem>>, vector<1x16xi32>,
      %swap3A_316 = vector.shape_cast %swap3A_315 : vector<1x16xi32> to vector<16xi32>
      %swap3A_317 = vector.shape_cast %add3A_140 : vector<16xi32> to vector<1x16xi32>
      tpu.vector_store %arg6[%swap3A_313, %swap3A_314], %swap3A_317 {strides = array<i32>} : memref<50x128xi32, #tpu.memory_space<vmem>>, vector<1x16xi32>,
      %swap3A_318 = arith.index_cast %scan3A_46 : i32 to index
      %swap3A_319 = arith.constant 32 : index
      %swap3A_320 = tpu.vector_load %arg6[%swap3A_318, %swap3A_319] {strides = array<i32>} : memref<50x128xi32, #tpu.memory_space<vmem>>, vector<1x16xi32>,
      %swap3A_321 = vector.shape_cast %swap3A_320 : vector<1x16xi32> to vector<16xi32>
      %swap3A_322 = vector.shape_cast %add3A_168 : vector<16xi32> to vector<1x16xi32>
      tpu.vector_store %arg6[%swap3A_318, %swap3A_319], %swap3A_322 {strides = array<i32>} : memref<50x128xi32, #tpu.memory_space<vmem>>, vector<1x16xi32>,
      %swap3A_323 = arith.index_cast %scan3A_46 : i32 to index
      %swap3A_324 = arith.constant 48 : index
      %swap3A_325 = tpu.vector_load %arg6[%swap3A_323, %swap3A_324] {strides = array<i32>} : memref<50x128xi32, #tpu.memory_space<vmem>>, vector<1x16xi32>,
      %swap3A_326 = vector.shape_cast %swap3A_325 : vector<1x16xi32> to vector<16xi32>
      %swap3A_327 = vector.shape_cast %add3A_196 : vector<16xi32> to vector<1x16xi32>
      tpu.vector_store %arg6[%swap3A_323, %swap3A_324], %swap3A_327 {strides = array<i32>} : memref<50x128xi32, #tpu.memory_space<vmem>>, vector<1x16xi32>,
      %swap3A_328 = arith.index_cast %scan3A_46 : i32 to index
      %swap3A_329 = arith.constant 64 : index
      %swap3A_330 = tpu.vector_load %arg6[%swap3A_328, %swap3A_329] {strides = array<i32>} : memref<50x128xi32, #tpu.memory_space<vmem>>, vector<1x16xi32>,
      %swap3A_331 = vector.shape_cast %swap3A_330 : vector<1x16xi32> to vector<16xi32>
      %swap3A_332 = vector.shape_cast %add3A_224 : vector<16xi32> to vector<1x16xi32>
      tpu.vector_store %arg6[%swap3A_328, %swap3A_329], %swap3A_332 {strides = array<i32>} : memref<50x128xi32, #tpu.memory_space<vmem>>, vector<1x16xi32>,
      %swap3A_333 = arith.index_cast %scan3A_46 : i32 to index
      %swap3A_334 = arith.constant 80 : index
      %swap3A_335 = tpu.vector_load %arg6[%swap3A_333, %swap3A_334] {strides = array<i32>} : memref<50x128xi32, #tpu.memory_space<vmem>>, vector<1x16xi32>,
      %swap3A_336 = vector.shape_cast %swap3A_335 : vector<1x16xi32> to vector<16xi32>
      %swap3A_337 = vector.shape_cast %add3A_252 : vector<16xi32> to vector<1x16xi32>
      tpu.vector_store %arg6[%swap3A_333, %swap3A_334], %swap3A_337 {strides = array<i32>} : memref<50x128xi32, #tpu.memory_space<vmem>>, vector<1x16xi32>,
      %swap3A_338 = arith.index_cast %scan3A_46 : i32 to index
      %swap3A_339 = arith.constant 96 : index
      %swap3A_340 = tpu.vector_load %arg6[%swap3A_338, %swap3A_339] {strides = array<i32>} : memref<50x128xi32, #tpu.memory_space<vmem>>, vector<1x16xi32>,
      %swap3A_341 = vector.shape_cast %swap3A_340 : vector<1x16xi32> to vector<16xi32>
      %swap3A_342 = vector.shape_cast %add3A_280 : vector<16xi32> to vector<1x16xi32>
      tpu.vector_store %arg6[%swap3A_338, %swap3A_339], %swap3A_342 {strides = array<i32>} : memref<50x128xi32, #tpu.memory_space<vmem>>, vector<1x16xi32>,
      %swap3A_343 = arith.index_cast %scan3A_46 : i32 to index
      %swap3A_344 = arith.constant 112 : index
      %swap3A_345 = tpu.vector_load %arg6[%swap3A_343, %swap3A_344] {strides = array<i32>} : memref<50x128xi32, #tpu.memory_space<vmem>>, vector<1x16xi32>,
      %swap3A_346 = vector.shape_cast %swap3A_345 : vector<1x16xi32> to vector<16xi32>
      %swap3A_347 = vector.shape_cast %add3A_308 : vector<16xi32> to vector<1x16xi32>
      tpu.vector_store %arg6[%swap3A_343, %swap3A_344], %swap3A_347 {strides = array<i32>} : memref<50x128xi32, #tpu.memory_space<vmem>>, vector<1x16xi32>,
      %dma_start3A_348 = arith.constant 0 : i32
      %dma_start3A_349 = tpu.memref_slice %arg7[%scan3A_46, %dma_start3A_348] : memref<50x128xf32, #tpu.memory_space<vmem>> -> memref<1x128xf32, #tpu.memory_space<vmem>>
      %dma_start3A_350 = tpu.memref_squeeze %dma_start3A_349 : memref<1x128xf32, #tpu.memory_space<vmem>> -> memref<128xf32, #tpu.memory_space<vmem>>
      %dma_start3A_351 = arith.constant 0 : i32
      %dma_start3A_352 = tpu.memref_slice %arg6[%scan3A_46, %dma_start3A_351] : memref<50x128xi32, #tpu.memory_space<vmem>> -> memref<1x128xi32, #tpu.memory_space<vmem>>
      %dma_start3A_353 = tpu.memref_squeeze %dma_start3A_352 : memref<1x128xi32, #tpu.memory_space<vmem>> -> memref<128xi32, #tpu.memory_space<vmem>>
      %dma_start3A_354 = arith.constant 0 : i32
      %dma_start3A_355 = tpu.memref_slice %arg2[%dma_start3A_354] : memref<102400000xf32, #tpu.memory_space<hbm>> -> memref<102400000xf32, #tpu.memory_space<hbm>>
      tpu.enqueue_indirect_dma source(%dma_start3A_355 : memref<102400000xf32, #tpu.memory_space<hbm>>) target(%dma_start3A_350 : memref<128xf32, #tpu.memory_space<vmem>>) offsets(%dma_start3A_353 : memref<128xi32, #tpu.memory_space<vmem>>) semaphore(%arg8 : memref<!tpu.dma_semaphore, #tpu.memory_space<semaphore_mem>>)
    }
    %scan3A_25 = arith.constant 32 : i32
    %dma_wait3A_26 = arith.constant 4096 : i32
    %dma_wait3A_27 = tpu.memref_slice %arg5[%dma_wait3A_26] : memref<6400xi32, #tpu.memory_space<vmem>> -> memref<2304xi32, #tpu.memory_space<vmem>>
    %dma_wait3A_28 = tpu.memref_slice %arg3[%add3A_4] : memref<204800xi32, #tpu.memory_space<hbm>> -> memref<2304xi32, #tpu.memory_space<hbm>>
    %dma_wait3A_29 = arith.constant 4096 : i32
    %dma_wait3A_30 = tpu.memref_slice %arg5[%dma_wait3A_29] : memref<6400xi32, #tpu.memory_space<vmem>> -> memref<2304xi32, #tpu.memory_space<vmem>>
    %dma_wait3A_31 = tpu.memref_slice %arg3[%add3A_4] : memref<204800xi32, #tpu.memory_space<hbm>> -> memref<2304xi32, #tpu.memory_space<hbm>>
    tpu.wait_dma2 semaphore(%arg9 : memref<!tpu.dma_semaphore, #tpu.memory_space<semaphore_mem>>) src(%dma_wait3A_31 : memref<2304xi32, #tpu.memory_space<hbm>>) dst(%dma_wait3A_30 : memref<2304xi32, #tpu.memory_space<vmem>>)
    %scan3A_32 = arith.constant 0 : i32
    %scan3A_33 = arith.constant 32 : i32
    %scan3A_34 = arith.constant 18 : i32
    %scan3A_35 = arith.addi %scan3A_33, %scan3A_34 : i32
    %scan3A_36 = arith.constant 1 : i32
    scf.for %scan3A_46 = %scan3A_33 to %scan3A_35 step %scan3A_36  : i32 {
      %mul3A_47 = arith.constant 128 : i32
      %mul3A_48 = arith.muli %scan3A_46, %mul3A_47 : i32
      %add3A_49 = arith.constant 0 : i32
      %add3A_50 = arith.addi %mul3A_48, %add3A_49 : i32
      %get3A = arith.index_cast %add3A_50 : i32 to index
      %get3A_51 = tpu.vector_load %arg5[%get3A] {strides = array<i32>} : memref<6400xi32, #tpu.memory_space<vmem>>, vector<16xi32>,
      %get3A_52 = vector.shape_cast %get3A_51 : vector<16xi32> to vector<16xi32>
      %add3A_53 = arith.constant 16 : i32
      %add3A_54 = arith.addi %mul3A_48, %add3A_53 : i32
      %get3A_55 = arith.index_cast %add3A_54 : i32 to index
      %get3A_56 = tpu.vector_load %arg5[%get3A_55] {strides = array<i32>} : memref<6400xi32, #tpu.memory_space<vmem>>, vector<16xi32>,
      %get3A_57 = vector.shape_cast %get3A_56 : vector<16xi32> to vector<16xi32>
      %add3A_58 = arith.constant 32 : i32
      %add3A_59 = arith.addi %mul3A_48, %add3A_58 : i32
      %get3A_60 = arith.index_cast %add3A_59 : i32 to index
      %get3A_61 = tpu.vector_load %arg5[%get3A_60] {strides = array<i32>} : memref<6400xi32, #tpu.memory_space<vmem>>, vector<16xi32>,
      %get3A_62 = vector.shape_cast %get3A_61 : vector<16xi32> to vector<16xi32>
      %add3A_63 = arith.constant 48 : i32
      %add3A_64 = arith.addi %mul3A_48, %add3A_63 : i32
      %get3A_65 = arith.index_cast %add3A_64 : i32 to index
      %get3A_66 = tpu.vector_load %arg5[%get3A_65] {strides = array<i32>} : memref<6400xi32, #tpu.memory_space<vmem>>, vector<16xi32>,
      %get3A_67 = vector.shape_cast %get3A_66 : vector<16xi32> to vector<16xi32>
      %add3A_68 = arith.constant 64 : i32
      %add3A_69 = arith.addi %mul3A_48, %add3A_68 : i32
      %get3A_70 = arith.index_cast %add3A_69 : i32 to index
      %get3A_71 = tpu.vector_load %arg5[%get3A_70] {strides = array<i32>} : memref<6400xi32, #tpu.memory_space<vmem>>, vector<16xi32>,
      %get3A_72 = vector.shape_cast %get3A_71 : vector<16xi32> to vector<16xi32>
      %add3A_73 = arith.constant 80 : i32
      %add3A_74 = arith.addi %mul3A_48, %add3A_73 : i32
      %get3A_75 = arith.index_cast %add3A_74 : i32 to index
      %get3A_76 = tpu.vector_load %arg5[%get3A_75] {strides = array<i32>} : memref<6400xi32, #tpu.memory_space<vmem>>, vector<16xi32>,
      %get3A_77 = vector.shape_cast %get3A_76 : vector<16xi32> to vector<16xi32>
      %add3A_78 = arith.constant 96 : i32
      %add3A_79 = arith.addi %mul3A_48, %add3A_78 : i32
      %get3A_80 = arith.index_cast %add3A_79 : i32 to index
      %get3A_81 = tpu.vector_load %arg5[%get3A_80] {strides = array<i32>} : memref<6400xi32, #tpu.memory_space<vmem>>, vector<16xi32>,
      %get3A_82 = vector.shape_cast %get3A_81 : vector<16xi32> to vector<16xi32>
      %add3A_83 = arith.constant 112 : i32
      %add3A_84 = arith.addi %mul3A_48, %add3A_83 : i32
      %get3A_85 = arith.index_cast %add3A_84 : i32 to index
      %get3A_86 = tpu.vector_load %arg5[%get3A_85] {strides = array<i32>} : memref<6400xi32, #tpu.memory_space<vmem>>, vector<16xi32>,
      %get3A_87 = vector.shape_cast %get3A_86 : vector<16xi32> to vector<16xi32>
      %add3A_88 = arith.addi %mul3A_2, %mul3A_48 : i32
      %add3A_89 = arith.constant 0 : i32
      %add3A_90 = arith.addi %add3A_88, %add3A_89 : i32
      %shift_right_logical3A = arith.constant 10 : i32
      %shift_right_logical3A_91 = arith.shrui %add3A_90, %shift_right_logical3A : i32
      %and3A = arith.constant 7 : i32
      %and3A_92 = arith.andi %shift_right_logical3A_91, %and3A : i32
      %shift_left3A = arith.constant 10 : i32
      %shift_left3A_93 = arith.shli %and3A_92, %shift_left3A : i32
      %and3A_94 = arith.constant 127 : i32
      %and3A_95 = arith.andi %add3A_90, %and3A_94 : i32
      %add3A_96 = arith.addi %shift_left3A_93, %and3A_95 : i32
      %shift_right_logical3A_97 = arith.constant 3 : i32
      %shift_right_logical3A_98 = vector.broadcast %shift_right_logical3A_97 : i32 to vector<16xi32>
      %shift_right_logical3A_99 = arith.shrui %get3A_52, %shift_right_logical3A_98 : vector<16xi32>
      %shift_left3A_100 = arith.constant 13 : i32
      %shift_left3A_101 = vector.broadcast %shift_left3A_100 : i32 to vector<16xi32>
      %shift_left3A_102 = arith.shli %shift_right_logical3A_99, %shift_left3A_101 : vector<16xi32>
      %and3A_103 = arith.constant 7 : i32
      %and3A_104 = vector.broadcast %and3A_103 : i32 to vector<16xi32>
      %and3A_105 = arith.andi %get3A_52, %and3A_104 : vector<16xi32>
      %shift_left3A_106 = arith.constant 7 : i32
      %shift_left3A_107 = vector.broadcast %shift_left3A_106 : i32 to vector<16xi32>
      %shift_left3A_108 = arith.shli %and3A_105, %shift_left3A_107 : vector<16xi32>
      %add3A_109 = arith.addi %shift_left3A_102, %shift_left3A_108 : vector<16xi32>
      %add3A_110 = vector.broadcast %add3A_96 : i32 to vector<16xi32>
      %add3A_111 = arith.addi %add3A_110, %iota3A : vector<16xi32>
      %add3A_112 = arith.addi %add3A_109, %add3A_111 : vector<16xi32>
      %add3A_113 = arith.addi %mul3A_2, %mul3A_48 : i32
      %add3A_114 = arith.constant 16 : i32
      %add3A_115 = arith.addi %add3A_113, %add3A_114 : i32
      %shift_right_logical3A_116 = arith.constant 10 : i32
      %shift_right_logical3A_117 = arith.shrui %add3A_115, %shift_right_logical3A_116 : i32
      %and3A_118 = arith.constant 7 : i32
      %and3A_119 = arith.andi %shift_right_logical3A_117, %and3A_118 : i32
      %shift_left3A_120 = arith.constant 10 : i32
      %shift_left3A_121 = arith.shli %and3A_119, %shift_left3A_120 : i32
      %and3A_122 = arith.constant 127 : i32
      %and3A_123 = arith.andi %add3A_115, %and3A_122 : i32
      %add3A_124 = arith.addi %shift_left3A_121, %and3A_123 : i32
      %shift_right_logical3A_125 = arith.constant 3 : i32
      %shift_right_logical3A_126 = vector.broadcast %shift_right_logical3A_125 : i32 to vector<16xi32>
      %shift_right_logical3A_127 = arith.shrui %get3A_57, %shift_right_logical3A_126 : vector<16xi32>
      %shift_left3A_128 = arith.constant 13 : i32
      %shift_left3A_129 = vector.broadcast %shift_left3A_128 : i32 to vector<16xi32>
      %shift_left3A_130 = arith.shli %shift_right_logical3A_127, %shift_left3A_129 : vector<16xi32>
      %and3A_131 = arith.constant 7 : i32
      %and3A_132 = vector.broadcast %and3A_131 : i32 to vector<16xi32>
      %and3A_133 = arith.andi %get3A_57, %and3A_132 : vector<16xi32>
      %shift_left3A_134 = arith.constant 7 : i32
      %shift_left3A_135 = vector.broadcast %shift_left3A_134 : i32 to vector<16xi32>
      %shift_left3A_136 = arith.shli %and3A_133, %shift_left3A_135 : vector<16xi32>
      %add3A_137 = arith.addi %shift_left3A_130, %shift_left3A_136 : vector<16xi32>
      %add3A_138 = vector.broadcast %add3A_124 : i32 to vector<16xi32>
      %add3A_139 = arith.addi %add3A_138, %iota3A : vector<16xi32>
      %add3A_140 = arith.addi %add3A_137, %add3A_139 : vector<16xi32>
      %add3A_141 = arith.addi %mul3A_2, %mul3A_48 : i32
      %add3A_142 = arith.constant 32 : i32
      %add3A_143 = arith.addi %add3A_141, %add3A_142 : i32
      %shift_right_logical3A_144 = arith.constant 10 : i32
      %shift_right_logical3A_145 = arith.shrui %add3A_143, %shift_right_logical3A_144 : i32
      %and3A_146 = arith.constant 7 : i32
      %and3A_147 = arith.andi %shift_right_logical3A_145, %and3A_146 : i32
      %shift_left3A_148 = arith.constant 10 : i32
      %shift_left3A_149 = arith.shli %and3A_147, %shift_left3A_148 : i32
      %and3A_150 = arith.constant 127 : i32
      %and3A_151 = arith.andi %add3A_143, %and3A_150 : i32
      %add3A_152 = arith.addi %shift_left3A_149, %and3A_151 : i32
      %shift_right_logical3A_153 = arith.constant 3 : i32
      %shift_right_logical3A_154 = vector.broadcast %shift_right_logical3A_153 : i32 to vector<16xi32>
      %shift_right_logical3A_155 = arith.shrui %get3A_62, %shift_right_logical3A_154 : vector<16xi32>
      %shift_left3A_156 = arith.constant 13 : i32
      %shift_left3A_157 = vector.broadcast %shift_left3A_156 : i32 to vector<16xi32>
      %shift_left3A_158 = arith.shli %shift_right_logical3A_155, %shift_left3A_157 : vector<16xi32>
      %and3A_159 = arith.constant 7 : i32
      %and3A_160 = vector.broadcast %and3A_159 : i32 to vector<16xi32>
      %and3A_161 = arith.andi %get3A_62, %and3A_160 : vector<16xi32>
      %shift_left3A_162 = arith.constant 7 : i32
      %shift_left3A_163 = vector.broadcast %shift_left3A_162 : i32 to vector<16xi32>
      %shift_left3A_164 = arith.shli %and3A_161, %shift_left3A_163 : vector<16xi32>
      %add3A_165 = arith.addi %shift_left3A_158, %shift_left3A_164 : vector<16xi32>
      %add3A_166 = vector.broadcast %add3A_152 : i32 to vector<16xi32>
      %add3A_167 = arith.addi %add3A_166, %iota3A : vector<16xi32>
      %add3A_168 = arith.addi %add3A_165, %add3A_167 : vector<16xi32>
      %add3A_169 = arith.addi %mul3A_2, %mul3A_48 : i32
      %add3A_170 = arith.constant 48 : i32
      %add3A_171 = arith.addi %add3A_169, %add3A_170 : i32
      %shift_right_logical3A_172 = arith.constant 10 : i32
      %shift_right_logical3A_173 = arith.shrui %add3A_171, %shift_right_logical3A_172 : i32
      %and3A_174 = arith.constant 7 : i32
      %and3A_175 = arith.andi %shift_right_logical3A_173, %and3A_174 : i32
      %shift_left3A_176 = arith.constant 10 : i32
      %shift_left3A_177 = arith.shli %and3A_175, %shift_left3A_176 : i32
      %and3A_178 = arith.constant 127 : i32
      %and3A_179 = arith.andi %add3A_171, %and3A_178 : i32
      %add3A_180 = arith.addi %shift_left3A_177, %and3A_179 : i32
      %shift_right_logical3A_181 = arith.constant 3 : i32
      %shift_right_logical3A_182 = vector.broadcast %shift_right_logical3A_181 : i32 to vector<16xi32>
      %shift_right_logical3A_183 = arith.shrui %get3A_67, %shift_right_logical3A_182 : vector<16xi32>
      %shift_left3A_184 = arith.constant 13 : i32
      %shift_left3A_185 = vector.broadcast %shift_left3A_184 : i32 to vector<16xi32>
      %shift_left3A_186 = arith.shli %shift_right_logical3A_183, %shift_left3A_185 : vector<16xi32>
      %and3A_187 = arith.constant 7 : i32
      %and3A_188 = vector.broadcast %and3A_187 : i32 to vector<16xi32>
      %and3A_189 = arith.andi %get3A_67, %and3A_188 : vector<16xi32>
      %shift_left3A_190 = arith.constant 7 : i32
      %shift_left3A_191 = vector.broadcast %shift_left3A_190 : i32 to vector<16xi32>
      %shift_left3A_192 = arith.shli %and3A_189, %shift_left3A_191 : vector<16xi32>
      %add3A_193 = arith.addi %shift_left3A_186, %shift_left3A_192 : vector<16xi32>
      %add3A_194 = vector.broadcast %add3A_180 : i32 to vector<16xi32>
      %add3A_195 = arith.addi %add3A_194, %iota3A : vector<16xi32>
      %add3A_196 = arith.addi %add3A_193, %add3A_195 : vector<16xi32>
      %add3A_197 = arith.addi %mul3A_2, %mul3A_48 : i32
      %add3A_198 = arith.constant 64 : i32
      %add3A_199 = arith.addi %add3A_197, %add3A_198 : i32
      %shift_right_logical3A_200 = arith.constant 10 : i32
      %shift_right_logical3A_201 = arith.shrui %add3A_199, %shift_right_logical3A_200 : i32
      %and3A_202 = arith.constant 7 : i32
      %and3A_203 = arith.andi %shift_right_logical3A_201, %and3A_202 : i32
      %shift_left3A_204 = arith.constant 10 : i32
      %shift_left3A_205 = arith.shli %and3A_203, %shift_left3A_204 : i32
      %and3A_206 = arith.constant 127 : i32
      %and3A_207 = arith.andi %add3A_199, %and3A_206 : i32
      %add3A_208 = arith.addi %shift_left3A_205, %and3A_207 : i32
      %shift_right_logical3A_209 = arith.constant 3 : i32
      %shift_right_logical3A_210 = vector.broadcast %shift_right_logical3A_209 : i32 to vector<16xi32>
      %shift_right_logical3A_211 = arith.shrui %get3A_72, %shift_right_logical3A_210 : vector<16xi32>
      %shift_left3A_212 = arith.constant 13 : i32
      %shift_left3A_213 = vector.broadcast %shift_left3A_212 : i32 to vector<16xi32>
      %shift_left3A_214 = arith.shli %shift_right_logical3A_211, %shift_left3A_213 : vector<16xi32>
      %and3A_215 = arith.constant 7 : i32
      %and3A_216 = vector.broadcast %and3A_215 : i32 to vector<16xi32>
      %and3A_217 = arith.andi %get3A_72, %and3A_216 : vector<16xi32>
      %shift_left3A_218 = arith.constant 7 : i32
      %shift_left3A_219 = vector.broadcast %shift_left3A_218 : i32 to vector<16xi32>
      %shift_left3A_220 = arith.shli %and3A_217, %shift_left3A_219 : vector<16xi32>
      %add3A_221 = arith.addi %shift_left3A_214, %shift_left3A_220 : vector<16xi32>
      %add3A_222 = vector.broadcast %add3A_208 : i32 to vector<16xi32>
      %add3A_223 = arith.addi %add3A_222, %iota3A : vector<16xi32>
      %add3A_224 = arith.addi %add3A_221, %add3A_223 : vector<16xi32>
      %add3A_225 = arith.addi %mul3A_2, %mul3A_48 : i32
      %add3A_226 = arith.constant 80 : i32
      %add3A_227 = arith.addi %add3A_225, %add3A_226 : i32
      %shift_right_logical3A_228 = arith.constant 10 : i32
      %shift_right_logical3A_229 = arith.shrui %add3A_227, %shift_right_logical3A_228 : i32
      %and3A_230 = arith.constant 7 : i32
      %and3A_231 = arith.andi %shift_right_logical3A_229, %and3A_230 : i32
      %shift_left3A_232 = arith.constant 10 : i32
      %shift_left3A_233 = arith.shli %and3A_231, %shift_left3A_232 : i32
      %and3A_234 = arith.constant 127 : i32
      %and3A_235 = arith.andi %add3A_227, %and3A_234 : i32
      %add3A_236 = arith.addi %shift_left3A_233, %and3A_235 : i32
      %shift_right_logical3A_237 = arith.constant 3 : i32
      %shift_right_logical3A_238 = vector.broadcast %shift_right_logical3A_237 : i32 to vector<16xi32>
      %shift_right_logical3A_239 = arith.shrui %get3A_77, %shift_right_logical3A_238 : vector<16xi32>
      %shift_left3A_240 = arith.constant 13 : i32
      %shift_left3A_241 = vector.broadcast %shift_left3A_240 : i32 to vector<16xi32>
      %shift_left3A_242 = arith.shli %shift_right_logical3A_239, %shift_left3A_241 : vector<16xi32>
      %and3A_243 = arith.constant 7 : i32
      %and3A_244 = vector.broadcast %and3A_243 : i32 to vector<16xi32>
      %and3A_245 = arith.andi %get3A_77, %and3A_244 : vector<16xi32>
      %shift_left3A_246 = arith.constant 7 : i32
      %shift_left3A_247 = vector.broadcast %shift_left3A_246 : i32 to vector<16xi32>
      %shift_left3A_248 = arith.shli %and3A_245, %shift_left3A_247 : vector<16xi32>
      %add3A_249 = arith.addi %shift_left3A_242, %shift_left3A_248 : vector<16xi32>
      %add3A_250 = vector.broadcast %add3A_236 : i32 to vector<16xi32>
      %add3A_251 = arith.addi %add3A_250, %iota3A : vector<16xi32>
      %add3A_252 = arith.addi %add3A_249, %add3A_251 : vector<16xi32>
      %add3A_253 = arith.addi %mul3A_2, %mul3A_48 : i32
      %add3A_254 = arith.constant 96 : i32
      %add3A_255 = arith.addi %add3A_253, %add3A_254 : i32
      %shift_right_logical3A_256 = arith.constant 10 : i32
      %shift_right_logical3A_257 = arith.shrui %add3A_255, %shift_right_logical3A_256 : i32
      %and3A_258 = arith.constant 7 : i32
      %and3A_259 = arith.andi %shift_right_logical3A_257, %and3A_258 : i32
      %shift_left3A_260 = arith.constant 10 : i32
      %shift_left3A_261 = arith.shli %and3A_259, %shift_left3A_260 : i32
      %and3A_262 = arith.constant 127 : i32
      %and3A_263 = arith.andi %add3A_255, %and3A_262 : i32
      %add3A_264 = arith.addi %shift_left3A_261, %and3A_263 : i32
      %shift_right_logical3A_265 = arith.constant 3 : i32
      %shift_right_logical3A_266 = vector.broadcast %shift_right_logical3A_265 : i32 to vector<16xi32>
      %shift_right_logical3A_267 = arith.shrui %get3A_82, %shift_right_logical3A_266 : vector<16xi32>
      %shift_left3A_268 = arith.constant 13 : i32
      %shift_left3A_269 = vector.broadcast %shift_left3A_268 : i32 to vector<16xi32>
      %shift_left3A_270 = arith.shli %shift_right_logical3A_267, %shift_left3A_269 : vector<16xi32>
      %and3A_271 = arith.constant 7 : i32
      %and3A_272 = vector.broadcast %and3A_271 : i32 to vector<16xi32>
      %and3A_273 = arith.andi %get3A_82, %and3A_272 : vector<16xi32>
      %shift_left3A_274 = arith.constant 7 : i32
      %shift_left3A_275 = vector.broadcast %shift_left3A_274 : i32 to vector<16xi32>
      %shift_left3A_276 = arith.shli %and3A_273, %shift_left3A_275 : vector<16xi32>
      %add3A_277 = arith.addi %shift_left3A_270, %shift_left3A_276 : vector<16xi32>
      %add3A_278 = vector.broadcast %add3A_264 : i32 to vector<16xi32>
      %add3A_279 = arith.addi %add3A_278, %iota3A : vector<16xi32>
      %add3A_280 = arith.addi %add3A_277, %add3A_279 : vector<16xi32>
      %add3A_281 = arith.addi %mul3A_2, %mul3A_48 : i32
      %add3A_282 = arith.constant 112 : i32
      %add3A_283 = arith.addi %add3A_281, %add3A_282 : i32
      %shift_right_logical3A_284 = arith.constant 10 : i32
      %shift_right_logical3A_285 = arith.shrui %add3A_283, %shift_right_logical3A_284 : i32
      %and3A_286 = arith.constant 7 : i32
      %and3A_287 = arith.andi %shift_right_logical3A_285, %and3A_286 : i32
      %shift_left3A_288 = arith.constant 10 : i32
      %shift_left3A_289 = arith.shli %and3A_287, %shift_left3A_288 : i32
      %and3A_290 = arith.constant 127 : i32
      %and3A_291 = arith.andi %add3A_283, %and3A_290 : i32
      %add3A_292 = arith.addi %shift_left3A_289, %and3A_291 : i32
      %shift_right_logical3A_293 = arith.constant 3 : i32
      %shift_right_logical3A_294 = vector.broadcast %shift_right_logical3A_293 : i32 to vector<16xi32>
      %shift_right_logical3A_295 = arith.shrui %get3A_87, %shift_right_logical3A_294 : vector<16xi32>
      %shift_left3A_296 = arith.constant 13 : i32
      %shift_left3A_297 = vector.broadcast %shift_left3A_296 : i32 to vector<16xi32>
      %shift_left3A_298 = arith.shli %shift_right_logical3A_295, %shift_left3A_297 : vector<16xi32>
      %and3A_299 = arith.constant 7 : i32
      %and3A_300 = vector.broadcast %and3A_299 : i32 to vector<16xi32>
      %and3A_301 = arith.andi %get3A_87, %and3A_300 : vector<16xi32>
      %shift_left3A_302 = arith.constant 7 : i32
      %shift_left3A_303 = vector.broadcast %shift_left3A_302 : i32 to vector<16xi32>
      %shift_left3A_304 = arith.shli %and3A_301, %shift_left3A_303 : vector<16xi32>
      %add3A_305 = arith.addi %shift_left3A_298, %shift_left3A_304 : vector<16xi32>
      %add3A_306 = vector.broadcast %add3A_292 : i32 to vector<16xi32>
      %add3A_307 = arith.addi %add3A_306, %iota3A : vector<16xi32>
      %add3A_308 = arith.addi %add3A_305, %add3A_307 : vector<16xi32>
      %swap3A = arith.index_cast %scan3A_46 : i32 to index
      %swap3A_309 = arith.constant 0 : index
      %swap3A_310 = tpu.vector_load %arg6[%swap3A, %swap3A_309] {strides = array<i32>} : memref<50x128xi32, #tpu.memory_space<vmem>>, vector<1x16xi32>,
      %swap3A_311 = vector.shape_cast %swap3A_310 : vector<1x16xi32> to vector<16xi32>
      %swap3A_312 = vector.shape_cast %add3A_112 : vector<16xi32> to vector<1x16xi32>
      tpu.vector_store %arg6[%swap3A, %swap3A_309], %swap3A_312 {strides = array<i32>} : memref<50x128xi32, #tpu.memory_space<vmem>>, vector<1x16xi32>,
      %swap3A_313 = arith.index_cast %scan3A_46 : i32 to index
      %swap3A_314 = arith.constant 16 : index
      %swap3A_315 = tpu.vector_load %arg6[%swap3A_313, %swap3A_314] {strides = array<i32>} : memref<50x128xi32, #tpu.memory_space<vmem>>, vector<1x16xi32>,
      %swap3A_316 = vector.shape_cast %swap3A_315 : vector<1x16xi32> to vector<16xi32>
      %swap3A_317 = vector.shape_cast %add3A_140 : vector<16xi32> to vector<1x16xi32>
      tpu.vector_store %arg6[%swap3A_313, %swap3A_314], %swap3A_317 {strides = array<i32>} : memref<50x128xi32, #tpu.memory_space<vmem>>, vector<1x16xi32>,
      %swap3A_318 = arith.index_cast %scan3A_46 : i32 to index
      %swap3A_319 = arith.constant 32 : index
      %swap3A_320 = tpu.vector_load %arg6[%swap3A_318, %swap3A_319] {strides = array<i32>} : memref<50x128xi32, #tpu.memory_space<vmem>>, vector<1x16xi32>,
      %swap3A_321 = vector.shape_cast %swap3A_320 : vector<1x16xi32> to vector<16xi32>
      %swap3A_322 = vector.shape_cast %add3A_168 : vector<16xi32> to vector<1x16xi32>
      tpu.vector_store %arg6[%swap3A_318, %swap3A_319], %swap3A_322 {strides = array<i32>} : memref<50x128xi32, #tpu.memory_space<vmem>>, vector<1x16xi32>,
      %swap3A_323 = arith.index_cast %scan3A_46 : i32 to index
      %swap3A_324 = arith.constant 48 : index
      %swap3A_325 = tpu.vector_load %arg6[%swap3A_323, %swap3A_324] {strides = array<i32>} : memref<50x128xi32, #tpu.memory_space<vmem>>, vector<1x16xi32>,
      %swap3A_326 = vector.shape_cast %swap3A_325 : vector<1x16xi32> to vector<16xi32>
      %swap3A_327 = vector.shape_cast %add3A_196 : vector<16xi32> to vector<1x16xi32>
      tpu.vector_store %arg6[%swap3A_323, %swap3A_324], %swap3A_327 {strides = array<i32>} : memref<50x128xi32, #tpu.memory_space<vmem>>, vector<1x16xi32>,
      %swap3A_328 = arith.index_cast %scan3A_46 : i32 to index
      %swap3A_329 = arith.constant 64 : index
      %swap3A_330 = tpu.vector_load %arg6[%swap3A_328, %swap3A_329] {strides = array<i32>} : memref<50x128xi32, #tpu.memory_space<vmem>>, vector<1x16xi32>,
      %swap3A_331 = vector.shape_cast %swap3A_330 : vector<1x16xi32> to vector<16xi32>
      %swap3A_332 = vector.shape_cast %add3A_224 : vector<16xi32> to vector<1x16xi32>
      tpu.vector_store %arg6[%swap3A_328, %swap3A_329], %swap3A_332 {strides = array<i32>} : memref<50x128xi32, #tpu.memory_space<vmem>>, vector<1x16xi32>,
      %swap3A_333 = arith.index_cast %scan3A_46 : i32 to index
      %swap3A_334 = arith.constant 80 : index
      %swap3A_335 = tpu.vector_load %arg6[%swap3A_333, %swap3A_334] {strides = array<i32>} : memref<50x128xi32, #tpu.memory_space<vmem>>, vector<1x16xi32>,
      %swap3A_336 = vector.shape_cast %swap3A_335 : vector<1x16xi32> to vector<16xi32>
      %swap3A_337 = vector.shape_cast %add3A_252 : vector<16xi32> to vector<1x16xi32>
      tpu.vector_store %arg6[%swap3A_333, %swap3A_334], %swap3A_337 {strides = array<i32>} : memref<50x128xi32, #tpu.memory_space<vmem>>, vector<1x16xi32>,
      %swap3A_338 = arith.index_cast %scan3A_46 : i32 to index
      %swap3A_339 = arith.constant 96 : index
      %swap3A_340 = tpu.vector_load %arg6[%swap3A_338, %swap3A_339] {strides = array<i32>} : memref<50x128xi32, #tpu.memory_space<vmem>>, vector<1x16xi32>,
      %swap3A_341 = vector.shape_cast %swap3A_340 : vector<1x16xi32> to vector<16xi32>
      %swap3A_342 = vector.shape_cast %add3A_280 : vector<16xi32> to vector<1x16xi32>
      tpu.vector_store %arg6[%swap3A_338, %swap3A_339], %swap3A_342 {strides = array<i32>} : memref<50x128xi32, #tpu.memory_space<vmem>>, vector<1x16xi32>,
      %swap3A_343 = arith.index_cast %scan3A_46 : i32 to index
      %swap3A_344 = arith.constant 112 : index
      %swap3A_345 = tpu.vector_load %arg6[%swap3A_343, %swap3A_344] {strides = array<i32>} : memref<50x128xi32, #tpu.memory_space<vmem>>, vector<1x16xi32>,
      %swap3A_346 = vector.shape_cast %swap3A_345 : vector<1x16xi32> to vector<16xi32>
      %swap3A_347 = vector.shape_cast %add3A_308 : vector<16xi32> to vector<1x16xi32>
      tpu.vector_store %arg6[%swap3A_343, %swap3A_344], %swap3A_347 {strides = array<i32>} : memref<50x128xi32, #tpu.memory_space<vmem>>, vector<1x16xi32>,
      %dma_start3A_348 = arith.constant 0 : i32
      %dma_start3A_349 = tpu.memref_slice %arg7[%scan3A_46, %dma_start3A_348] : memref<50x128xf32, #tpu.memory_space<vmem>> -> memref<1x128xf32, #tpu.memory_space<vmem>>
      %dma_start3A_350 = tpu.memref_squeeze %dma_start3A_349 : memref<1x128xf32, #tpu.memory_space<vmem>> -> memref<128xf32, #tpu.memory_space<vmem>>
      %dma_start3A_351 = arith.constant 0 : i32
      %dma_start3A_352 = tpu.memref_slice %arg6[%scan3A_46, %dma_start3A_351] : memref<50x128xi32, #tpu.memory_space<vmem>> -> memref<1x128xi32, #tpu.memory_space<vmem>>
      %dma_start3A_353 = tpu.memref_squeeze %dma_start3A_352 : memref<1x128xi32, #tpu.memory_space<vmem>> -> memref<128xi32, #tpu.memory_space<vmem>>
      %dma_start3A_354 = arith.constant 0 : i32
      %dma_start3A_355 = tpu.memref_slice %arg2[%dma_start3A_354] : memref<102400000xf32, #tpu.memory_space<hbm>> -> memref<102400000xf32, #tpu.memory_space<hbm>>
      tpu.enqueue_indirect_dma source(%dma_start3A_355 : memref<102400000xf32, #tpu.memory_space<hbm>>) target(%dma_start3A_350 : memref<128xf32, #tpu.memory_space<vmem>>) offsets(%dma_start3A_353 : memref<128xi32, #tpu.memory_space<vmem>>) semaphore(%arg8 : memref<!tpu.dma_semaphore, #tpu.memory_space<semaphore_mem>>)
    }
    %scan3A_37 = arith.constant 18 : i32
    %dma_wait3A_38 = arith.constant 0 : i32
    %dma_wait3A_39 = arith.constant 0 : i32
    %dma_wait3A_40 = tpu.memref_slice %arg4[%add3A, %dma_wait3A_38, %dma_wait3A_39] : memref<32x50x128xf32, #tpu.memory_space<hbm>> -> memref<1x50x128xf32, #tpu.memory_space<hbm>>
    %dma_wait3A_41 = tpu.memref_squeeze %dma_wait3A_40 : memref<1x50x128xf32, #tpu.memory_space<hbm>> -> memref<50x128xf32, #tpu.memory_space<hbm>>
    %dma_wait3A_42 = arith.constant 0 : i32
    %dma_wait3A_43 = arith.constant 0 : i32
    %dma_wait3A_44 = tpu.memref_slice %arg4[%add3A, %dma_wait3A_42, %dma_wait3A_43] : memref<32x50x128xf32, #tpu.memory_space<hbm>> -> memref<1x50x128xf32, #tpu.memory_space<hbm>>
    %dma_wait3A_45 = tpu.memref_squeeze %dma_wait3A_44 : memref<1x50x128xf32, #tpu.memory_space<hbm>> -> memref<50x128xf32, #tpu.memory_space<hbm>>
    tpu.wait_dma2 semaphore(%arg8 : memref<!tpu.dma_semaphore, #tpu.memory_space<semaphore_mem>>) src(%dma_wait3A_45 : memref<50x128xf32, #tpu.memory_space<hbm>>) dst(%arg7 : memref<50x128xf32, #tpu.memory_space<vmem>>)
    "tpu.region"() ({
      %run_scoped3A = tpu.sem_alloc : memref<!tpu.dma_semaphore, #tpu.memory_space<semaphore_mem>>
      %dma_start3A_46 = arith.constant 0 : i32
      %dma_start3A_47 = arith.constant 0 : i32
      %dma_start3A_48 = tpu.memref_slice %arg4[%add3A, %dma_start3A_46, %dma_start3A_47] : memref<32x50x128xf32, #tpu.memory_space<hbm>> -> memref<1x50x128xf32, #tpu.memory_space<hbm>>
      %dma_start3A_49 = tpu.memref_squeeze %dma_start3A_48 : memref<1x50x128xf32, #tpu.memory_space<hbm>> -> memref<50x128xf32, #tpu.memory_space<hbm>>
      %dma_start3A_50 = arith.constant 0 : i32
      %dma_start3A_51 = arith.constant 0 : i32
      %dma_start3A_52 = tpu.memref_slice %arg4[%add3A, %dma_start3A_50, %dma_start3A_51] : memref<32x50x128xf32, #tpu.memory_space<hbm>> -> memref<1x50x128xf32, #tpu.memory_space<hbm>>
      %dma_start3A_53 = tpu.memref_squeeze %dma_start3A_52 : memref<1x50x128xf32, #tpu.memory_space<hbm>> -> memref<50x128xf32, #tpu.memory_space<hbm>>
      tpu.enqueue_dma source(%arg7 : memref<50x128xf32, #tpu.memory_space<vmem>>) target(%dma_start3A_53 : memref<50x128xf32, #tpu.memory_space<hbm>>) target_semaphore(%run_scoped3A : memref<!tpu.dma_semaphore, #tpu.memory_space<semaphore_mem>>)
      %dma_wait3A_54 = arith.constant 0 : i32
      %dma_wait3A_55 = arith.constant 0 : i32
      %dma_wait3A_56 = tpu.memref_slice %arg4[%add3A, %dma_wait3A_54, %dma_wait3A_55] : memref<32x50x128xf32, #tpu.memory_space<hbm>> -> memref<1x50x128xf32, #tpu.memory_space<hbm>>
      %dma_wait3A_57 = tpu.memref_squeeze %dma_wait3A_56 : memref<1x50x128xf32, #tpu.memory_space<hbm>> -> memref<50x128xf32, #tpu.memory_space<hbm>>
      %dma_wait3A_58 = arith.constant 0 : i32
      %dma_wait3A_59 = arith.constant 0 : i32
      %dma_wait3A_60 = tpu.memref_slice %arg4[%add3A, %dma_wait3A_58, %dma_wait3A_59] : memref<32x50x128xf32, #tpu.memory_space<hbm>> -> memref<1x50x128xf32, #tpu.memory_space<hbm>>
      %dma_wait3A_61 = tpu.memref_squeeze %dma_wait3A_60 : memref<1x50x128xf32, #tpu.memory_space<hbm>> -> memref<50x128xf32, #tpu.memory_space<hbm>>
      tpu.wait_dma2 semaphore(%run_scoped3A : memref<!tpu.dma_semaphore, #tpu.memory_space<semaphore_mem>>) src(%arg7 : memref<50x128xf32, #tpu.memory_space<vmem>>) dst(%dma_wait3A_61 : memref<50x128xf32, #tpu.memory_space<hbm>>)
      tpu.yield
    }) : () -> ()
    return
  }
}

</mosaic_0001>

<sc_bundles>
// kernel: kernel.3.cloned.1.call-start
scs
__scs_entry_jumppad:
0x0: {  	(pc) =	sbr.rel $0x88, $3  }
0x1: {  	(tag) =	ssettag $0x0;
	lr =	simm.s32 $0x1  }
0x2: {  	[smem:$0x3F9F] =	sst lr;
	_ =	strace $0xD0000000  }
0x3: {  	_ = 	snop  }
0x4: {  	_ = 	snop  }
0x5: {  	_ = 	snop  }
0x6: {  	_ = 	snop  }
0x7: {  	_ = 	snop  }
__scs_overlays_trampoline_lowered:
0x8: {  	[smem:$0x3FAE] =	sst s0  }
0x9: {  	[smem:$0x3FAF] =	sst s1  }
0xa: {  	[smem:$0x3FB0] =	sst s2  }
0xb: {  	[smem:$0x3FB1] =	sst s3  }
0xc: {  	[smem:$0x3FB2] =	sst s4  }
0xd: {  	[smem:$0x3FB3] =	sst s5  }
0xe: {  	[smem:$0x3FB4] =	sst s6  }
0xf: {  	[smem:$0x3FB5] =	sst s7  }
0x10: {  	[smem:$0x3FB6] =	sst s8  }
0x11: {  	[smem:$0x3FB7] =	sst s9;
	s0 =	simm.s32 @!p0 $0x0  }
0x12: {  	s1 =	sld [smem:$0x3F9D];
	s0 =	simm.s32 @p0 $0x1  }
0x13: {  	[smem:$0x3FB8] =	sst s0;
	s0 =	simm.s32 @!p1 $0x0  }
0x14: {  	s2 =	sld [smem:$0x3F9C];
	s0 =	simm.s32 @p1 $0x1  }
0x15: {  	[smem:$0x3FB9] =	sst s0;
	s0 =	simm.s32 @!p2 $0x0  }
0x16: {  	s3 =	sld [smem:$0x3FDB];
	s0 =	simm.s32 @p2 $0x1  }
0x17: {  	s4 =	simm.s32 $0x1BF5;
	[smem:$0x3FBB] =	sst s0  }
0x18: {  	s0 =	sld [smem:$0x3F9E];
	_ =	swait.ge [sflag:s4], $0x0  }
0x19: {  	s7 =	sld [smem:$0x3F9F]  }
0x1a: {  	s8 =	sadd.s32 $0xFFFFE003, lr  }
0x1b: {  	s9 =	sadd.s32 $0xFFFFFEF7, lr;
	s5 =	simm.s32 $0xFFFFFFFF;
	p2 =	slt.u32 s8, $0xFFFFF086  }
0x1c: {  	p1 =	slt.u32 s9, $0xF7A;
	s5 =	simm.s32 @!p2 $0x0  }
0x1d: {  	s5 =	simm.s32 @p1 $0x1;
	p0 =	seq.s32 s7, s2  }
0x1e: {  	s7 =	smul.u32 @!p0 $0xF7A, s2;
	p2 =	seq.s32 @!p0 s5, $0x0  }
0x1f: {  	s9 =	smul.u32 $0xF7A, s1;
	s8 =	simm.s32 @!p0 $0x1BF5;
	p2 =	por !p2, p0  }
0x20: {  	[sflag:s8] =	ssyncset.s32 @!p0 $0xFFFFF086;
	s6 =	sadd.s32 @!p0 s3, s7;
	s7 =	simm.s32 @!p0 $0x108  }
0x21: {  	s3 =	sadd.s32 s3, s9;
	s6 =	sadd.s32 @!p0 $0x88, s6;
	s7 =	simm.s32 @p2 $0x1082  }
0x22: {  	[simem:s7], [sflag:s8] =	dma.local @!p0 [hbm:s6], $0xF7A  }
0x23: {  	s9 =	sor.u32 $0xD0000000, s2;
	s6 =	simm.s32 $0x108;
	_ =	swait.ge @!p0 [sflag:s8], $0x0  }
0x24: {  	s3 =	sadd.s32 $0x88, s3;
	s6 =	simm.s32 @!p1 $0x1082;
	[sflag:s4] =	ssyncset.s32 $0xFFFFF086  }
0x25: {  	[simem:s6], [sflag:s4] =	dma.local [hbm:s3], $0xF7A  }
0x26: {  	[smem:$0x3F9F] =	sst s1;
	(tag) =	ssettag s2;
	_ =	strace s9  }
0x27: {  	s1 =	sld [smem:$0x3FAF]  }
0x28: {  	s2 =	sld [smem:$0x3FB0]  }
0x29: {  	s4 =	sld [smem:$0x3FB2]  }
0x2a: {  	p0 =	seq.s32 s5, $0x0;
	s5 =	sld [smem:$0x3FB3]  }
0x2b: {  	s6 =	sld [smem:$0x3FB4]  }
0x2c: {  	s7 =	sld [smem:$0x3FB5]  }
0x2d: {  	s3 =	simm.s32 $0x108;
	s8 =	sld [smem:$0x3FB6]  }
0x2e: {  	s3 =	simm.s32 @!p0 $0x1082;
	s9 =	sld [smem:$0x3FB7]  }
0x2f: {  	lr =	sadd.s32 s0, s3;
	s0 =	sld [smem:$0x3FAE]  }
0x30: {  	s3 =	sld [smem:$0x3FB1]  }
0x31: {  	[smem:$0x3FBA] =	sst s10  }
0x32: {  	s10 =	sld [smem:$0x3FB8];
	_ =	sdelay $0x3  }
0x33: {  	p0 =	seq.s32 s10, $0x1;
	s10 =	sld [smem:$0x3FBA];
	_ =	sdelay $0x3  }
0x34: {  	[smem:$0x3FBA] =	sst s10  }
0x35: {  	s10 =	sld [smem:$0x3FB9];
	_ =	sdelay $0x3  }
0x36: {  	p1 =	seq.s32 s10, $0x1;
	s10 =	sld [smem:$0x3FBA];
	_ =	sdelay $0x3  }
0x37: {  	[smem:$0x3FBA] =	sst s10  }
0x38: {  	s10 =	sld [smem:$0x3FBB]  }
0x39: {  	_ = 	snop;
	(pc) =	sbr.ind lr, $3  }
0x3a: {  	_ = 	snop  }
0x3b: {  	_ = 	snop  }
0x3c: {  	p2 =	seq.s32 s10, $0x1;
	s10 =	sld [smem:$0x3FBA]  }
0x3d: {  	_ =	shalt  }
0x3e: {  	_ =	shalt  }
0x3f: {  	_ =	shalt  }
0x40: {  	_ =	shalt  }
0x41: {  	_ =	shalt  }
0x42: {  	_ =	shalt  }
0x43: {  	_ =	shalt  }
0x44: {  	_ =	shalt  }
0x45: {  	_ =	shalt  }
0x46: {  	_ =	shalt  }
0x47: {  	_ =	shalt  }
0x48: {  	_ =	shalt  }
0x49: {  	_ =	shalt  }
0x4a: {  	_ =	shalt  }
0x4b: {  	_ =	shalt  }
0x4c: {  	_ =	shalt  }
0x4d: {  	_ =	shalt  }
0x4e: {  	_ =	shalt  }
0x4f: {  	_ =	shalt  }
0x50: {  	_ =	shalt  }
0x51: {  	_ =	shalt  }
0x52: {  	_ =	shalt  }
0x53: {  	_ =	shalt  }
0x54: {  	_ =	shalt  }
0x55: {  	_ =	shalt  }
0x56: {  	_ =	shalt  }
0x57: {  	_ =	shalt  }
0x58: {  	_ =	shalt  }
0x59: {  	_ =	shalt  }
0x5a: {  	_ =	shalt  }
0x5b: {  	_ =	shalt  }
0x5c: {  	_ =	shalt  }
0x5d: {  	_ =	shalt  }
0x5e: {  	_ =	shalt  }
0x5f: {  	_ =	shalt  }
0x60: {  	_ =	shalt  }
0x61: {  	_ =	shalt  }
0x62: {  	_ =	shalt  }
0x63: {  	_ =	shalt  }
0x64: {  	_ =	shalt  }
0x65: {  	_ =	shalt  }
0x66: {  	_ =	shalt  }
0x67: {  	_ =	shalt  }
0x68: {  	_ =	shalt  }
0x69: {  	_ =	shalt  }
0x6a: {  	_ =	shalt  }
0x6b: {  	_ =	shalt  }
0x6c: {  	_ =	shalt  }
0x6d: {  	_ =	shalt  }
0x6e: {  	_ =	shalt  }
0x6f: {  	_ =	shalt  }
0x70: {  	_ =	shalt  }
0x71: {  	_ =	shalt  }
0x72: {  	_ =	shalt  }
0x73: {  	_ =	shalt  }
0x74: {  	_ =	shalt  }
0x75: {  	_ =	shalt  }
0x76: {  	_ =	shalt  }
0x77: {  	_ =	shalt  }
0x78: {  	_ =	shalt  }
0x79: {  	_ =	shalt  }
0x7a: {  	_ =	shalt  }
0x7b: {  	_ =	shalt  }
0x7c: {  	_ =	shalt  }
0x7d: {  	_ =	shalt  }
0x7e: {  	_ =	shalt  }
0x7f: {  	_ =	shalt  }
0x80: {  	_ =	shalt  }
0x81: {  	_ =	shalt  }
0x82: {  	_ =	shalt  }
0x83: {  	_ =	shalt  }
0x84: {  	_ =	shalt  }
0x85: {  	_ =	shalt  }
0x86: {  	_ =	shalt  }
0x87: {  	_ =	shalt  }
.Lfunc_end0:
.L_simem_size_0:
called_computation_lowered:
.L_overlay_start_0:
0x88: {  	s2 =	sld [smem:$0x3FD9]  }
0x89: {  	s3 =	sld [smem:$0x3FFE];
	_ =	sdelay $0x1  }
0x8a: {  	s1 =	srdreg.scid  }
0x8b: {  	s0 =	sand.u32 $0x1, s1  }
0x8c: {  	s17 =	sshll.u32 s0, $0xA;
	s2 =	sadd.s32 s3, s2  }
0x8d: {  	s2 =	sadd.s32 s2, s17  }
0x8e: {  	[smem:$0x3FC6] =	sst s2  }
0x8f: {  	_ = 	snop  }
0x90: {  	s2 =	sld [smem:$0x3FC9]  }
0x91: {  	s18 =	sld [smem:$0x3FC8];
	(tm) =	ssettm $0x1  }
0x92: {  	s4 =	sld [smem:$0x3FFB];
	_ =	sdelay $0x3  }
0x93: {  	_ =	strace s4  }
0x94: {  	s4 =	sld [smem:$0x3FFC];
	_ =	sdelay $0x3  }
0x95: {  	_ =	strace s4  }
0x96: {  	s4 =	sld [smem:$0x3FFD];
	_ =	sdelay $0x3  }
0x97: {  	_ =	strace s4  }
0x98: {  	_ =	strace $0x8FFFFFFF  }
0x99: {  	s19 =	sld [smem:$0x3FDB];
	_ =	sdelay $0x1  }
0x9a: {  	s5 =	simm.s32 $_scs_section_size  }
0x9b: {  	s6 =	simm.s32 $_size__tile_overlayer_lowered;
	s7 =	simm.s32 $_tile_overlayer_lowered  }
0x9c: {  	s22 =	simm.s32 $0x1BFF;
	s21 =	sshll.u32 s7, $0x1;
	s4 =	sadd.s32 s5, s19  }
0x9d: {  	s8 =	simm.s32 $0x0;
	s20 =	sshll.u32 s6, $0x1;
	s6 =	sadd.s32 s21, s4  }
0x9e: {  	[timem:s8], [sflag:s22] =	dma.local [hbm:s6], s20  }
0x9f: {  	_ =	swait.ge [sflag:s22], s20  }
0xa0: {  	s5 =	ssub.s32 $0x0, s20;
	[sflag:s22] =	ssyncset.done $0x0  }
0xa1: {  	[sflag:s22] =	ssyncadd.s32 s5;
	_ =	sdelay $0x1  }
0xa2: {  	s23 =	simm.s32 $0x1B8B  }
0xa3: {  	_ =	swait.ge [sflag:s23], $0x1  }
0xa4: {  	[sflag:s23] =	ssyncset.done $0x0  }
0xa5: {  	s25 =	simm.s32 $0x1B8E;
	s24 =	sld [smem:$0x3FFE];
	[sflag:s23] =	ssyncadd.s32 $0xFFFFFFFF  }
0xa6: {  	s26 =	simm.s32 $execute0_lowered;
	[smem:$0x3FD2] =	sst s25  }
0xa7: {  	s6 =	sshll.u32 s26, $0x1;
	_ =	strace $0x80000046;
	[dreg:$0x1] =	wrdreg $0xFFFFFFFF  }
0xa8: {  	s28 =	simm.s32 $_size_execute0_lowered;
	s4 =	sadd.s32 s4, s6;
	[dreg:$0x0] =	wrdreg $0x0  }
0xa9: {  	s6 =	sshll.u32 s28, $0x1;
	[dreg:$0x2] =	wrdreg s4  }
0xaa: {  	[dreg:$0x3] =	wrdreg s6  }
0xab: {  	[dreg:$0x4] =	wrdreg $0xC0  }
0xac: {  	_ =	task [dreg:s8], $0x5FFFF  }
0xad: {  	[dreg:$0x1] =	wrdreg $0xFFFFFFFF  }
0xae: {  	[dreg:$0x0] =	wrdreg $0x60  }
0xaf: {  	[dreg:$0x2] =	wrdreg s2  }
0xb0: {  	[dreg:$0x3] =	wrdreg s18  }
0xb1: {  	[dreg:$0x4] =	wrdreg s24  }
0xb2: {  	[dreg:$0x5] =	wrdreg $0x9  }
0xb3: {  	_ =	task.clear_ibuf [dreg:s8], $0x6FFFF;
	_ =	strace $0x90000046  }
0xb4: {  	s29 =	simm.s32 $0x9;
	_ =	strace $0x80000048  }
0xb5: {  	_ =	swait.ge [sflag:s29], $0x1  }
0xb6: {  	[sflag:s29] =	ssyncadd.s32 $0xFFFFFFFF  }
0xb7: {  	_ =	strace $0x90000048  }
0xb8: {  	_ =	sfence  }
0xb9: {  	s30 =	sld [smem:$0x0];
	_ =	sdelay $0x2  }
0xba: {  	s31 =	sshll.u32 s1, $0xD;
	s1 =	sshrl.u32 s1, $0x2  }
0xbb: {  	s3 =	sand.u32 $0x4000, s31;
	s1 =	sadd.s32 s1, s30  }
0xbc: {  	s0 =	sor.u32 s3, s0;
	s1 =	sshll.u32 s1, $0x11  }
0xbd: {  	s0 =	sor.u32 s1, s0  }
0xbe: {  	s0 =	sadd.s32 $0x8F2B, s0  }
0xbf: {  	[sflag:s0] =	ssyncadd.remote.s32 $0x1  }
0xc0: {  	_ =	sfence.sel $0xFFFF  }
0xc1: {  	[dreg:$0x0] =	wrdreg $0xFFFFFFFF;
	(pc) =	sbr.abs _section_cstart, $3  }
0xc2: {  	[dreg:$0x1] =	wrdreg $0xFFFFFFFF  }
0xc3: {  	_ =	task.clear_ibuf [dreg:s8], $0x2FFFF;
	_ =	strace $0x9FFFFFFF  }
0xc4: {  	(tm) =	ssettm $0x7FFFFFFF  }
0xc5: {  	_ =	shalt  }
tec
execute0_lowered:
.L_overlay_start_1:
0x0: {  	(tag) =	ssettag $0x1  }
0x1: {  	s1 =	rddreg [dreg:$0x0];
	s2 =	srdreg.scid  }
0x2: {  	s0 =	stileid.u32;
	s4 =	rddreg [dreg:$0x1]  }
0x3: {  	s6 =	rddreg [dreg:$0x2];
	s3 =	simm.s32 $0x0;
	s13 =	simm.s32 $0x1  }
0x4: {  	s14 =	simm.s32 $0x3500;
	s5 =	sand.u32 $0x1, s2;
	s30 =	sshll.u32 s0, $0x1  }
0x5: {  	s15 =	simm.s32 $0x3;
	s10 =	smul.u32 $0x3200, s0;
	s7 =	sor.u32 s5, s30  }
0x6: {  	s16 =	simm.s32 $0x0;
	s2 =	rddreg [dreg:$0x3];
	s8 =	smul.u32 $0x380, s7  }
0x7: {  	[smem:$0x7FF] =	sst s3;
	s9 =	ssub.s32 $0x2, s5;
	s7 =	smul.u32 $0x1900, s7  }
0x8: {  	_ =	strace $0x80000047;
	s12 =	smul.u32 $0x1900, s5;
	s11 =	sshrl.u32 s9, $0x1  }
0x9: {  	s31 =	ssub.s32 s9, s11;
	s11 =	simm.s32 $0x2;
	s7 =	sshrl.u32 s7, $0x3  }
0xa: {  	s6 =	sadd.s32 s8, s6;
	s8 =	smax.u32 s31, $0x1;
	s4 =	sadd.s32 s4, s7  }
0xb: {  	s6 =	sadd.s32 $0x400, s6;
	s7 =	sadd.s32 s12, s10;
	s10 =	simm.s32 $0x1000  }
0xc: {  	v0 =	vlaneseq.u32;
	s12 =	simm.s32 $0x80;
	s5 =	sadd.s32 $0x200, s4;
	s9 =	sadd.s32 $0x1000, s7  }
.LBB2_1:
0xd: {  	[tilespmem:s3], [sflag:$0x2] =	stream.linear.gather [hbm4b:s4+s3], $0x1000, $0x38;
	[tilespmem:$0x5100] =	vst v63  }
0xe: {  	_ = 	snop  }
0xf: {  	[tilespmem:s10], [sflag:$0x2] =	stream.linear.gather [hbm4b:s5+s3], $0x900, $0x38;
	[tilespmem:$0x5100] =	vst v63  }
0x10: {  	_ =	swait.ge [sflag:s11], $0x1000  }
0x11: {  	[sflag:s11] =	ssyncset.done $0x0  }
0x12: {  	s17 =	simm.s32 $0x0;
	[sflag:s11] =	ssyncadd.s32 $0xFFFFF000  }
0x13: {  	v1 =	vld [tilespmem:s17+$0x0]  }
0x14: {  	v2 =	vld [tilespmem:s17+$0x10];
	_ =	sdelay $0x2  }
0x15: {  	v3 =	vld [tilespmem:s17+$0x20]  }
0x16: {  	v4 =	vshll.u32 v1, $0xA;
	v1 =	vshll.u32 v1, $0x7  }
0x17: {  	s18 =	sand.u32 $0x1C00, s7;
	v6 =	vshll.u32 v2, $0x7;
	v2 =	vshll.u32 v2, $0xA;
	v1 =	vand.u32 $0x380, v1  }
0x18: {  	s19 =	sor.u32 $0x10, s18;
	v5 =	vld [tilespmem:s17+$0x30];
	v4 =	vand.u32 $0xFFFFE000, v4;
	v6 =	vand.u32 $0x380, v6;
	v1 =	vor.u32 s18, v1  }
0x19: {  	v6 =	vor.u32 s19, v6;
	v1 =	vor.u32 v4, v1;
	v4 =	vand.u32 $0xFFFFE000, v2  }
0x1a: {  	v2 =	vor.u32 v0, v1;
	v1 =	vor.u32 v4, v6;
	v4 =	vshll.u32 v3, $0x7  }
0x1b: {  	s30 =	sor.u32 $0x20, s18;
	v3 =	vshll.u32 v3, $0xA;
	v4 =	vand.u32 $0x380, v4  }
0x1c: {  	v8 =	vld [tilespmem:s17+$0x40];
	v3 =	vand.u32 $0xFFFFE000, v3;
	v4 =	vor.u32 s30, v4  }
0x1d: {  	v6 =	vshll.u32 v5, $0x7;
	v3 =	vor.u32 v3, v4;
	v4 =	vshll.u32 v5, $0xA;
	v5 =	vld [tilespmem:s17+$0x50];
	_ =	sdelay $0x1  }
0x1e: {  	s31 =	sor.u32 $0x30, s18;
	v1 =	vor.u32 v0, v1;
	v6 =	vand.u32 $0x380, v6  }
0x1f: {  	v6 =	vor.u32 s31, v6;
	v3 =	vor.u32 v0, v3;
	v7 =	vand.u32 $0xFFFFE000, v4  }
0x20: {  	s20 =	smov.u32 s7;
	s19 =	simm.s32 $0x200;
	v4 =	vld [tilespmem:s17+$0x60];
	v6 =	vor.u32 v7, v6;
	v7 =	vshll.u32 v8, $0xA;
	v8 =	vshll.u32 v8, $0x7  }
.LBB2_2:
0x21: {  	p0 =	sne.s32 s19, $0x3E00;
	v9 =	vld [tilespmem:s17+$0x70];
	s21 =	sor.u32 $0x40, s18;
	v7 =	vand.u32 $0xFFFFE000, v7;
	v8 =	vand.u32 $0x380, v8;
	v10 =	vshll.u32 v5, $0x7  }
0x22: {  	v5 =	vshll.u32 v5, $0xA;
	v8 =	vor.u32 s21, v8;
	s21 =	sor.u32 $0x50, s18;
	v10 =	vand.u32 $0x380, v10  }
0x23: {  	v5 =	vand.u32 $0xFFFFE000, v5;
	v7 =	vor.u32 v7, v8;
	v8 =	vor.u32 s21, v10  }
0x24: {  	v6 =	vor.u32 v0, v6;
	v7 =	vor.u32 v0, v7;
	v5 =	vor.u32 v5, v8;
	[tilespmem:s17+$0x1900] =	vst v2  }
0x25: {  	v2 =	vor.u32 v0, v5;
	v5 =	vshll.u32 v4, $0xA;
	v4 =	vshll.u32 v4, $0x7;
	[tilespmem:s17+$0x1910] =	vst v1  }
0x26: {  	s21 =	sor.u32 $0x60, s18;
	v1 =	vand.u32 $0xFFFFE000, v5;
	v4 =	vand.u32 $0x380, v4;
	v5 =	vshll.u32 v9, $0x7;
	[tilespmem:s17+$0x1920] =	vst v3  }
0x27: {  	s18 =	sor.u32 $0x70, s18;
	v3 =	vor.u32 s21, v4;
	v4 =	vshll.u32 v9, $0xA;
	v5 =	vand.u32 $0x380, v5;
	[tilespmem:s17+$0x1930] =	vst v6  }
0x28: {  	v1 =	vor.u32 v1, v3;
	v3 =	vand.u32 $0xFFFFE000, v4;
	v4 =	vor.u32 s18, v5;
	[tilespmem:s17+$0x1940] =	vst v7  }
0x29: {  	v1 =	vor.u32 v0, v1;
	v3 =	vor.u32 v3, v4;
	[tilespmem:s17+$0x1950] =	vst v2  }
0x2a: {  	s22 =	sadd.s32 $0x3500, s17;
	s21 =	sadd.s32 $0x1900, s17;
	s18 =	sshra.s32 s19, $0x2;
	v2 =	vor.u32 v0, v3;
	[tilespmem:s17+$0x1960] =	vst v1  }
0x2b: {  	[tilespmem:s17+$0x1970] =	vst v2;
	[tilespmem:s22], [sflag:$0x1] =	stream.indirect.gather [hbm4b:s1+s12], $0x1, s21, s12, $0xb8  }
0x2c: {  	s17 =	smov.u32 s18;
	v1 =	vld [tilespmem:s18+$0x0]  }
0x2d: {  	v2 =	vld [tilespmem:s17+$0x10];
	_ =	sdelay $0x2  }
0x2e: {  	v3 =	vld [tilespmem:s17+$0x20]  }
0x2f: {  	s20 =	sadd.s32 $0x80, s20;
	v4 =	vshll.u32 v1, $0xA;
	v1 =	vshll.u32 v1, $0x7  }
0x30: {  	s18 =	sand.u32 $0x1C00, s20;
	v6 =	vld [tilespmem:s17+$0x30];
	v4 =	vand.u32 $0xFFFFE000, v4;
	v1 =	vand.u32 $0x380, v1;
	v5 =	vshll.u32 v2, $0x7  }
0x31: {  	s21 =	sor.u32 $0x10, s18;
	v2 =	vshll.u32 v2, $0xA;
	v1 =	vor.u32 s18, v1;
	v5 =	vand.u32 $0x380, v5  }
0x32: {  	v1 =	vor.u32 v4, v1;
	v4 =	vand.u32 $0xFFFFE000, v2;
	v5 =	vor.u32 s21, v5  }
0x33: {  	v8 =	vld [tilespmem:s17+$0x40];
	v2 =	vor.u32 v0, v1;
	v1 =	vor.u32 v4, v5;
	v4 =	vshll.u32 v3, $0x7  }
.Ltmp0:
0x34: {  	s21 =	sor.u32 $0x20, s18;
	v3 =	vshll.u32 v3, $0xA;
	v5 =	vld [tilespmem:s17+$0x50];
	v1 =	vor.u32 v0, v1;
	v4 =	vand.u32 $0x380, v4;
	(pc) =	sbr.rel @p0 .LBB2_2-.Ltmp0, $4  }
0x35: {  	v3 =	vand.u32 $0xFFFFE000, v3;
	v4 =	vor.u32 s21, v4;
	v7 =	vshll.u32 v6, $0x7  }
0x36: {  	s21 =	sor.u32 $0x30, s18;
	v3 =	vor.u32 v3, v4;
	v4 =	vshll.u32 v6, $0xA;
	v6 =	vand.u32 $0x380, v7  }
0x37: {  	v3 =	vor.u32 v0, v3;
	v7 =	vand.u32 $0xFFFFE000, v4;
	v6 =	vor.u32 s21, v6  }
0x38: {  	s19 =	sadd.s32 $0x200, s19;
	v4 =	vld [tilespmem:s17+$0x60];
	v6 =	vor.u32 v7, v6;
	v7 =	vshll.u32 v8, $0xA;
	v8 =	vshll.u32 v8, $0x7  }
0x39: {  	v9 =	vld [tilespmem:s17+$0x70];
	s19 =	sor.u32 $0x40, s18;
	v7 =	vand.u32 $0xFFFFE000, v7;
	v8 =	vand.u32 $0x380, v8;
	v10 =	vshll.u32 v5, $0x7  }
0x3a: {  	s23 =	sor.u32 $0x50, s18;
	v5 =	vshll.u32 v5, $0xA;
	v8 =	vor.u32 s19, v8;
	v10 =	vand.u32 $0x380, v10  }
0x3b: {  	v5 =	vand.u32 $0xFFFFE000, v5;
	v7 =	vor.u32 v7, v8;
	v8 =	vor.u32 s23, v10  }
0x3c: {  	v6 =	vor.u32 v0, v6;
	[tilespmem:s17+$0x1900] =	vst v2;
	v7 =	vor.u32 v0, v7;
	v5 =	vor.u32 v5, v8  }
0x3d: {  	[tilespmem:s17+$0x1910] =	vst v1;
	v2 =	vor.u32 v0, v5;
	v5 =	vshll.u32 v4, $0xA;
	v4 =	vshll.u32 v4, $0x7  }
0x3e: {  	s24 =	sor.u32 $0x60, s18;
	[tilespmem:s17+$0x1920] =	vst v3;
	v1 =	vand.u32 $0xFFFFE000, v5;
	v4 =	vand.u32 $0x380, v4;
	v5 =	vshll.u32 v9, $0x7  }
0x3f: {  	s25 =	sor.u32 $0x70, s18;
	[tilespmem:s17+$0x1930] =	vst v6;
	v3 =	vor.u32 s24, v4;
	v4 =	vshll.u32 v9, $0xA;
	v5 =	vand.u32 $0x380, v5  }
0x40: {  	[tilespmem:s17+$0x1940] =	vst v7;
	v1 =	vor.u32 v1, v3;
	v3 =	vand.u32 $0xFFFFE000, v4;
	v4 =	vor.u32 s25, v5  }
0x41: {  	[tilespmem:s17+$0x1950] =	vst v2;
	v1 =	vor.u32 v0, v1;
	v3 =	vor.u32 v3, v4  }
0x42: {  	v2 =	vor.u32 v0, v3;
	[tilespmem:s17+$0x1960] =	vst v1  }
0x43: {  	s26 =	sadd.s32 $0x1900, s17;
	s28 =	sadd.s32 $0x3500, s17;
	[tilespmem:s17+$0x1970] =	vst v2  }
0x44: {  	[tilespmem:s28], [sflag:$0x1] =	stream.indirect.gather [hbm4b:s1+s12], $0x1, s26, s12, $0xb8;
	[tilespmem:$0x5100] =	vst v63  }
0x45: {  	_ =	swait.ge [sflag:s11], $0x900  }
0x46: {  	[sflag:s11] =	ssyncset.done $0x0  }
0x47: {  	s17 =	simm.s32 $0x0;
	[sflag:s11] =	ssyncadd.s32 $0xFFFFF700  }
0x48: {  	v1 =	vld [tilespmem:s17+$0x1000]  }
0x49: {  	v2 =	vld [tilespmem:s17+$0x1010];
	_ =	sdelay $0x2  }
0x4a: {  	v3 =	vld [tilespmem:s17+$0x1020]  }
0x4b: {  	v4 =	vshll.u32 v1, $0xA;
	v1 =	vshll.u32 v1, $0x7  }
0x4c: {  	s18 =	sand.u32 $0x1C00, s9;
	v6 =	vshll.u32 v2, $0x7;
	v2 =	vshll.u32 v2, $0xA;
	v1 =	vand.u32 $0x380, v1  }
0x4d: {  	s29 =	sor.u32 $0x10, s18;
	v5 =	vld [tilespmem:s17+$0x1030];
	v4 =	vand.u32 $0xFFFFE000, v4;
	v6 =	vand.u32 $0x380, v6;
	v1 =	vor.u32 s18, v1  }
0x4e: {  	v6 =	vor.u32 s29, v6;
	v1 =	vor.u32 v4, v1;
	v4 =	vand.u32 $0xFFFFE000, v2  }
0x4f: {  	v2 =	vor.u32 v0, v1;
	v1 =	vor.u32 v4, v6;
	v4 =	vshll.u32 v3, $0x7  }
0x50: {  	s30 =	sor.u32 $0x20, s18;
	v3 =	vshll.u32 v3, $0xA;
	v4 =	vand.u32 $0x380, v4  }
0x51: {  	v8 =	vld [tilespmem:s17+$0x1040];
	v3 =	vand.u32 $0xFFFFE000, v3;
	v4 =	vor.u32 s30, v4  }
0x52: {  	v6 =	vshll.u32 v5, $0x7;
	v3 =	vor.u32 v3, v4;
	v4 =	vshll.u32 v5, $0xA;
	v5 =	vld [tilespmem:s17+$0x1050];
	_ =	sdelay $0x1  }
0x53: {  	s31 =	sor.u32 $0x30, s18;
	v1 =	vor.u32 v0, v1;
	v6 =	vand.u32 $0x380, v6  }
0x54: {  	v6 =	vor.u32 s31, v6;
	v3 =	vor.u32 v0, v3;
	v7 =	vand.u32 $0xFFFFE000, v4  }
0x55: {  	s20 =	smov.u32 s9;
	s19 =	simm.s32 $0x200;
	v4 =	vld [tilespmem:s17+$0x1060];
	v6 =	vor.u32 v7, v6;
	v7 =	vshll.u32 v8, $0xA;
	v8 =	vshll.u32 v8, $0x7  }
.LBB2_4:
0x56: {  	p0 =	sne.s32 s19, $0x2200;
	v9 =	vld [tilespmem:s17+$0x1070];
	s21 =	sor.u32 $0x40, s18;
	v7 =	vand.u32 $0xFFFFE000, v7;
	v8 =	vand.u32 $0x380, v8;
	v10 =	vshll.u32 v5, $0x7  }
0x57: {  	v5 =	vshll.u32 v5, $0xA;
	v8 =	vor.u32 s21, v8;
	s21 =	sor.u32 $0x50, s18;
	v10 =	vand.u32 $0x380, v10  }
0x58: {  	v5 =	vand.u32 $0xFFFFE000, v5;
	v7 =	vor.u32 v7, v8;
	v8 =	vor.u32 s21, v10  }
0x59: {  	v6 =	vor.u32 v0, v6;
	v7 =	vor.u32 v0, v7;
	v5 =	vor.u32 v5, v8;
	[tilespmem:s17+$0x2900] =	vst v2  }
0x5a: {  	v2 =	vor.u32 v0, v5;
	v5 =	vshll.u32 v4, $0xA;
	v4 =	vshll.u32 v4, $0x7;
	[tilespmem:s17+$0x2910] =	vst v1  }
0x5b: {  	s21 =	sor.u32 $0x60, s18;
	v1 =	vand.u32 $0xFFFFE000, v5;
	v4 =	vand.u32 $0x380, v4;
	v5 =	vshll.u32 v9, $0x7;
	[tilespmem:s17+$0x2920] =	vst v3  }
0x5c: {  	s18 =	sor.u32 $0x70, s18;
	v3 =	vor.u32 s21, v4;
	v4 =	vshll.u32 v9, $0xA;
	v5 =	vand.u32 $0x380, v5;
	[tilespmem:s17+$0x2930] =	vst v6  }
0x5d: {  	v1 =	vor.u32 v1, v3;
	v3 =	vand.u32 $0xFFFFE000, v4;
	v4 =	vor.u32 s18, v5;
	[tilespmem:s17+$0x2940] =	vst v7  }
0x5e: {  	v1 =	vor.u32 v0, v1;
	v3 =	vor.u32 v3, v4;
	[tilespmem:s17+$0x2950] =	vst v2  }
0x5f: {  	s22 =	sadd.s32 $0x4500, s17;
	s21 =	sadd.s32 $0x2900, s17;
	s18 =	sshra.s32 s19, $0x2;
	v2 =	vor.u32 v0, v3;
	[tilespmem:s17+$0x2960] =	vst v1  }
0x60: {  	[tilespmem:s17+$0x2970] =	vst v2;
	[tilespmem:s22], [sflag:$0x1] =	stream.indirect.gather [hbm4b:s1+s12], $0x1, s21, s12, $0xb8  }
0x61: {  	s17 =	smov.u32 s18;
	v1 =	vld [tilespmem:s18+$0x1000]  }
0x62: {  	v2 =	vld [tilespmem:s17+$0x1010];
	_ =	sdelay $0x2  }
0x63: {  	v3 =	vld [tilespmem:s17+$0x1020]  }
0x64: {  	s20 =	sadd.s32 $0x80, s20;
	v4 =	vshll.u32 v1, $0xA;
	v1 =	vshll.u32 v1, $0x7  }
0x65: {  	s18 =	sand.u32 $0x1C00, s20;
	v6 =	vld [tilespmem:s17+$0x1030];
	v4 =	vand.u32 $0xFFFFE000, v4;
	v1 =	vand.u32 $0x380, v1;
	v5 =	vshll.u32 v2, $0x7  }
0x66: {  	s21 =	sor.u32 $0x10, s18;
	v2 =	vshll.u32 v2, $0xA;
	v1 =	vor.u32 s18, v1;
	v5 =	vand.u32 $0x380, v5  }
0x67: {  	v1 =	vor.u32 v4, v1;
	v4 =	vand.u32 $0xFFFFE000, v2;
	v5 =	vor.u32 s21, v5  }
0x68: {  	v8 =	vld [tilespmem:s17+$0x1040];
	v2 =	vor.u32 v0, v1;
	v1 =	vor.u32 v4, v5;
	v4 =	vshll.u32 v3, $0x7  }
.Ltmp1:
0x69: {  	s21 =	sor.u32 $0x20, s18;
	v3 =	vshll.u32 v3, $0xA;
	v5 =	vld [tilespmem:s17+$0x1050];
	v1 =	vor.u32 v0, v1;
	v4 =	vand.u32 $0x380, v4;
	(pc) =	sbr.rel @p0 .LBB2_4-.Ltmp1, $4  }
0x6a: {  	v3 =	vand.u32 $0xFFFFE000, v3;
	v4 =	vor.u32 s21, v4;
	v7 =	vshll.u32 v6, $0x7  }
0x6b: {  	s21 =	sor.u32 $0x30, s18;
	v3 =	vor.u32 v3, v4;
	v4 =	vshll.u32 v6, $0xA;
	v6 =	vand.u32 $0x380, v7  }
0x6c: {  	v3 =	vor.u32 v0, v3;
	v7 =	vand.u32 $0xFFFFE000, v4;
	v6 =	vor.u32 s21, v6  }
0x6d: {  	s19 =	sadd.s32 $0x200, s19;
	v4 =	vld [tilespmem:s17+$0x1060];
	v6 =	vor.u32 v7, v6;
	v7 =	vshll.u32 v8, $0xA;
	v8 =	vshll.u32 v8, $0x7  }
0x6e: {  	v9 =	vld [tilespmem:s17+$0x1070];
	s19 =	sor.u32 $0x40, s18;
	v7 =	vand.u32 $0xFFFFE000, v7;
	v8 =	vand.u32 $0x380, v8;
	v10 =	vshll.u32 v5, $0x7  }
0x6f: {  	s26 =	sor.u32 $0x50, s18;
	v57 =	vshll.u32 v5, $0xA;
	v8 =	vor.u32 s19, v8;
	v10 =	vand.u32 $0x380, v10  }
0x70: {  	v5 =	vand.u32 $0xFFFFE000, v57;
	v7 =	vor.u32 v7, v8;
	v58 =	vor.u32 s26, v10  }
0x71: {  	v6 =	vor.u32 v0, v6;
	[tilespmem:s17+$0x2900] =	vst v2;
	v7 =	vor.u32 v0, v7;
	v5 =	vor.u32 v5, v58  }
0x72: {  	[tilespmem:s17+$0x2910] =	vst v1;
	v2 =	vor.u32 v0, v5;
	v59 =	vshll.u32 v4, $0xA;
	v60 =	vshll.u32 v4, $0x7  }
0x73: {  	s28 =	sor.u32 $0x60, s18;
	[tilespmem:s17+$0x2920] =	vst v3;
	v1 =	vand.u32 $0xFFFFE000, v59;
	v4 =	vand.u32 $0x380, v60;
	v61 =	vshll.u32 v9, $0x7  }
0x74: {  	s29 =	sor.u32 $0x70, s18;
	[tilespmem:s17+$0x2930] =	vst v6;
	v62 =	vshll.u32 v9, $0xA;
	v3 =	vor.u32 s28, v4;
	v5 =	vand.u32 $0x380, v61  }
0x75: {  	[tilespmem:s17+$0x2940] =	vst v7;
	v1 =	vor.u32 v1, v3;
	v3 =	vand.u32 $0xFFFFE000, v62;
	v63 =	vor.u32 s29, v5  }
0x76: {  	[tilespmem:s17+$0x2950] =	vst v2;
	v1 =	vor.u32 v0, v1;
	v3 =	vor.u32 v3, v63  }
0x77: {  	v2 =	vor.u32 v0, v3;
	[tilespmem:s17+$0x2960] =	vst v1  }
0x78: {  	s30 =	sadd.s32 $0x2900, s17;
	s31 =	sadd.s32 $0x4500, s17;
	[tilespmem:s17+$0x2970] =	vst v2  }
0x79: {  	[tilespmem:s31], [sflag:$0x1] =	stream.indirect.gather [hbm4b:s1+s12], $0x1, s30, s12, $0xb8;
	[tilespmem:$0x5100] =	vst v63  }
0x7a: {  	s16 =	sadd.s32 $0x1, s16;
	_ =	swait.ge [sflag:s13], $0x1900  }
0x7b: {  	p0 =	sne.s32 s16, s8;
	[sflag:s13] =	ssyncset.done $0x0  }
.Ltmp2:
0x7c: {  	[sflag:s13] =	ssyncadd.s32 $0xFFFFE700;
	(pc) =	sbr.rel @p0 .LBB2_1-.Ltmp2, $4  }
0x7d: {  	[hbm4b:s6+s3] =	stream.linear.scatter [tilespmem:s14], [sflag:$0x3], $0x1900, $0x38;
	[tilespmem:$0x5100] =	vst v63  }
0x7e: {  	_ =	swait.ge [sflag:s15], $0x1900  }
0x7f: {  	[sflag:s15] =	ssyncset.done $0x0  }
0x80: {  	[sflag:s15] =	ssyncadd.s32 $0xFFFFE700  }
0x81: {  	_ =	sfence.sel $0x180000  }
0x82: {  	[bflag:$0x0] =	sbarrier.arrive $0xFFFF  }
0x83: {  	p0 =	sne.s32 s0, $0x0;
	_ =	strace $0x90000047  }
0x84: {  	s0 =	sadd.s32 @!p0 $0x100000, s2;
	[bflag:$0x2] =	sbarrier.arrive $0xFFFF  }
0x85: {  	[sflag:s0] =	ssyncadd.tile.s32 @!p0 $0x1;
	_ =	shalt  }
.Lfunc_end2:
_tile_overlayer_lowered:
.L_overlay_start_2:
0x86: {  	(tag) =	ssettag $0x2  }
0x87: {  	s0 =	rddreg [dreg:$0x0];
	s2 =	stileid.u32  }
0x88: {  	s1 =	rddreg [dreg:$0x1];
	p0 =	sne.s32 s2, $0x0  }
0x89: {  	s3 =	rddreg [dreg:$0x2];
	[bflag:$0x3] =	sbarrier.arrive $0xFFFF;
	s2 =	simm.s32 @!p0 $0x1C03  }
0x8a: {  	[timem:s3], [sflag:s2] =	dma.local @!p0 [hbm:s0], s1  }
0x8b: {  	s0 =	simm.s32 @!p0 $0x3  }
0x8c: {  	_ =	swait.ge @!p0 [sflag:s0], s1  }
0x8d: {  	s1 =	ssub.s32 @!p0 $0x0, s1;
	[sflag:s0] =	ssyncset.done @!p0 $0x0  }
0x8e: {  	[sflag:s0] =	ssyncadd.s32 @!p0 s1  }
0x8f: {  	[bflag:$0x3] =	sbarrier.arrive $0xFFFF  }
0x90: {  	_ =	shalt  }

</sc_bundles>
